<compile_context>
chip_gen: v7x
topology: tpu7x:2x2x1
jax: 0.10.2.dev20260603
libtpu: 0.0.44.dev20260713+nightly
codegen_flags: <defaults>
</compile_context>

<pallas_src>
import functools

import jax
import jax.numpy as jnp
from jax import lax
from jax.experimental import pallas as pl
from jax.experimental.pallas import tpu as pltpu
from jax.experimental.pallas import tpu_sc as plsc

D_T = 32
D_COND = 48
N_POS = 3
K = 20
D_H = 32
B = 2
N = 4096
D_Z = 54

TW = 128
RB = 256
RM = 256
RBK = 256
E = B * N * K

SC_NC = 2
SC_NS = 16
NW = SC_NC * SC_NS
EW = E // NW
GC = 256
GS = GC // 128
NG = EW // GC


def _cond_kernel(t_ref, c_ref, W1_ref, b1_ref, W2_ref, b2_ref, W3_ref, b3_ref, out_ref):
    t = t_ref[...]
    half = D_T // 2
    i = lax.broadcasted_iota(jnp.int32, (1, half), 1).astype(jnp.float32)
    freqs = jnp.exp(-jnp.log(10000.0) * i / (half - 1))
    args = t * freqs
    emb = jnp.concatenate([jnp.sin(args), jnp.cos(args)], axis=-1)
    x = jnp.concatenate([emb, c_ref[...]], axis=-1)
    h = jax.nn.gelu(x @ W1_ref[...] + b1_ref[...])
    h = jax.nn.gelu(h @ W2_ref[...] + b2_ref[...])
    out_ref[...] = h @ W3_ref[...] + b3_ref[...]


def _table_kernel(z_ref, cond_ref, Wq_ref, Wk_ref, Wv_ref, Wg_ref, bg_ref,
                  q_ref, T_ref):
    z = z_ref[0]
    s = z[:, 2 * N_POS:] + cond_ref[0]
    q_ref[0] = s @ Wq_ref[...]
    kt = s @ Wk_ref[...]
    vt = s @ Wv_ref[...]
    gt = s @ Wg_ref[...] + bg_ref[...]
    pos = z[:, 0:N_POS]
    vel = z[:, N_POS:2 * N_POS]
    pad = jnp.zeros((z.shape[0], TW - 89), jnp.float32)
    T_ref[...] = jnp.concatenate([kt, vt, gt, pos, vel, pad], axis=-1)


def _knn_kernel(z_ref, posT_ref, tgt_ref):
    b = pl.program_id(0)
    pr = z_ref[0]
    rows = pr.shape[0]
    d2 = None
    for c in range(N_POS):
        diff = posT_ref[0, c:c + 1, :] - pr[:, c:c + 1]
        d2 = diff * diff if d2 is None else d2 + diff * diff
    iota = lax.broadcasted_iota(jnp.int32, (rows, N), 1)
    bits = lax.bitcast_convert_type(d2, jnp.int32)
    key = lax.bitcast_convert_type(
        ((bits & jnp.int32(-4096)) | iota) + jnp.int32(1 << 23), jnp.float32)
    cols = []
    base = b * N
    for _ in range(K):
        m = jnp.min(key, axis=1, keepdims=True)
        mi = lax.bitcast_convert_type(m, jnp.int32)
        cols.append((mi & jnp.int32(4095)) + base)
        key = jnp.where(key == m, jnp.float32(jnp.inf), key)
    tgt_ref[0] = jnp.concatenate(cols, axis=-1)


def _mp_kernel(z_ref, q_ref, g_ref, Wo_ref, bo_ref, gamma_ref, out_ref):
    zb = z_ref[0]
    q = q_ref[0]
    G = g_ref[...].reshape(RM, K, TW)
    kt = G[:, :, 0:32]
    vt = G[:, :, 32:80]
    gt = G[:, :, 80:83]
    post = G[:, :, 83:86]
    velt = G[:, :, 86:89]
    pos = zb[:, 0:N_POS]
    rel = post - pos[:, None, :]
    dist2 = jnp.sum(rel * rel, axis=-1)
    gamma = gamma_ref[0, 0]
    logits = jnp.sum(q[:, None, :] * kt, axis=-1) / jnp.sqrt(jnp.float32(D_H)) - gamma * dist2
    att = jax.nn.softmax(logits, axis=-1)
    ns = jnp.sum(att[:, :, None] * vt, axis=1)
    new_s = ns @ Wo_ref[...] + bo_ref[...]
    aw = att[:, :, None]
    dpos = jnp.sum(aw * gt[:, :, 0:1] * rel, axis=1)
    dv = jnp.sum(aw * (gt[:, :, 1:2] * rel + gt[:, :, 2:3] * velt), axis=1)
    h = jnp.concatenate([dpos, dv, new_s], axis=-1)
    out_ref[0] = zb + h


def _gather_rows(T, idx2):
    mesh = plsc.VectorSubcoreMesh(core_axis_name="c", subcore_axis_name="s")

    @functools.partial(
        pl.kernel,
        out_type=jax.ShapeDtypeStruct((E, TW), jnp.float32),
        mesh=mesh,
        scratch_types=[
            pltpu.VMEM((EW // 128, 128), jnp.int32),
            pltpu.VMEM((GC, TW), jnp.float32),
            pltpu.VMEM((GC, TW), jnp.float32),
            pltpu.SemaphoreType.DMA,
            pltpu.SemaphoreType.DMA,
        ],
    )
    def gather_k(T_hbm, idx_hbm, out_hbm, idx_v, rows_a, rows_b, sem_a, sem_b):
        cid = lax.axis_index("c")
        sid = lax.axis_index("s")
        wid = sid * SC_NC + cid
        row_w = pl.multiple_of(wid * (EW // 128), 8)
        pltpu.sync_copy(idx_hbm.at[pl.ds(row_w, EW // 128)], idx_v)

        def fire(g, rows_v, sem):
            return [
                pltpu.async_copy(
                    T_hbm.at[idx_v.at[g * GS + r]], rows_v.at[pl.ds(r * 128, 128)], sem
                )
                for r in range(GS)
            ]

        def drain(copies):
            for c_ in copies:
                c_.wait()

        fire(0, rows_a, sem_a)

        def body(h, carry):
            g0 = 2 * h
            g1 = 2 * h + 1
            g2 = jnp.where(g1 + 1 < NG, g1 + 1, 0)
            drain([pltpu.make_async_copy(
                T_hbm.at[idx_v.at[g0 * GS + r]], rows_a.at[pl.ds(r * 128, 128)], sem_a)
                for r in range(GS)])
            fire(g1, rows_b, sem_b)
            pltpu.sync_copy(rows_a, out_hbm.at[pl.ds(wid * EW + g0 * GC, GC)])
            drain([pltpu.make_async_copy(
                T_hbm.at[idx_v.at[g1 * GS + r]], rows_b.at[pl.ds(r * 128, 128)], sem_b)
                for r in range(GS)])
            fire(g2, rows_a, sem_a)
            pltpu.sync_copy(rows_b, out_hbm.at[pl.ds(wid * EW + g1 * GC, GC)])
            return carry

        lax.fori_loop(0, NG // 2, body, 0)
        drain([pltpu.make_async_copy(
            T_hbm.at[idx_v.at[r]], rows_a.at[pl.ds(r * 128, 128)], sem_a)
            for r in range(GS)])

    return gather_k(T, idx2)


def kernel(z, t, conditioning, mask, W1, b1, W2, b2, W3, b3, Wq, Wk, Wv, Wo, bo, Wg, bg, gamma):
    del mask
    f32 = jnp.float32

    cond = pl.pallas_call(
        _cond_kernel,
        out_shape=jax.ShapeDtypeStruct((B, D_COND), f32),
    )(t.reshape(B, 1).astype(f32), conditioning,
      W1, b1.reshape(1, -1), W2, b2.reshape(1, -1), W3, b3.reshape(1, -1))
    cond3 = cond.reshape(B, 1, D_COND)

    nbt = N // RB
    q, T = pl.pallas_call(
        _table_kernel,
        grid=(B, nbt),
        in_specs=[
            pl.BlockSpec((1, RB, D_Z), lambda b_, i: (b_, i, 0)),
            pl.BlockSpec((1, 1, D_COND), lambda b_, i: (b_, 0, 0)),
            pl.BlockSpec((D_COND, D_H), lambda b_, i: (0, 0)),
            pl.BlockSpec((D_COND, D_H), lambda b_, i: (0, 0)),
            pl.BlockSpec((D_COND, D_COND), lambda b_, i: (0, 0)),
            pl.BlockSpec((D_COND, 3), lambda b_, i: (0, 0)),
            pl.BlockSpec((1, 3), lambda b_, i: (0, 0)),
        ],
        out_specs=[
            pl.BlockSpec((1, RB, D_H), lambda b_, i: (b_, i, 0)),
            pl.BlockSpec((RB, TW), lambda b_, i: (b_ * nbt + i, 0)),
        ],
        out_shape=[
            jax.ShapeDtypeStruct((B, N, D_H), f32),
            jax.ShapeDtypeStruct((B * N, TW), f32),
        ],
    )(z, cond3, Wq, Wk, Wv, Wg, bg.reshape(1, 3))

    posT = jnp.transpose(z[..., :N_POS], (0, 2, 1))
    tgt = pl.pallas_call(
        _knn_kernel,
        grid=(B, N // RBK),
        in_specs=[
            pl.BlockSpec((1, RBK, D_Z), lambda b_, i: (b_, i, 0)),
            pl.BlockSpec((1, N_POS, N), lambda b_, i: (b_, 0, 0)),
        ],
        out_specs=pl.BlockSpec((1, RBK, K), lambda b_, i: (b_, i, 0)),
        out_shape=jax.ShapeDtypeStruct((B, N, K), jnp.int32),
    )(z, posT)

    gath = _gather_rows(T, tgt.reshape(E // 128, 128))

    nbm = N // RM
    out = pl.pallas_call(
        _mp_kernel,
        grid=(B, nbm),
        in_specs=[
            pl.BlockSpec((1, RM, D_Z), lambda b_, i: (b_, i, 0)),
            pl.BlockSpec((1, RM, D_H), lambda b_, i: (b_, i, 0)),
            pl.BlockSpec((RM * K, TW), lambda b_, i: (b_ * nbm + i, 0)),
            pl.BlockSpec((D_COND, D_COND), lambda b_, i: (0, 0)),
            pl.BlockSpec((1, D_COND), lambda b_, i: (0, 0)),
            pl.BlockSpec((1, 1), lambda b_, i: (0, 0)),
        ],
        out_specs=pl.BlockSpec((1, RM, D_Z), lambda b_, i: (b_, i, 0)),
        out_shape=jax.ShapeDtypeStruct((B, N, D_Z), f32),
    )(z, q, gath, Wo, bo.reshape(1, -1), gamma.reshape(1, 1))

    return out

# --- scband reference (transcript-rebuilt; emitter-appended) ---
"""Pipeline reference for scband-equivariant-transformer-net-3212635537411 (READ-ONLY COPY).

The authoritative reference and input builder live on the scoring server;
editing this copy changes nothing except your own understanding.
"""

import jax, jax.numpy as jnp
import numpy as np

D_T = 32
D_COND_IN = 16
D_COND = D_T + D_COND_IN  # 48
N_POS = 3
K = 20
D_H = 32
B = 2
N = 4096
D_Z = 2 * N_POS + D_COND  # 54


def get_timestep_embedding(t, dim):
    half = dim // 2
    freqs = jnp.exp(-jnp.log(10000.0) * jnp.arange(half, dtype=jnp.float32) / (half - 1))
    args = t[:, None].astype(jnp.float32) * freqs[None, :]
    return jnp.concatenate([jnp.sin(args), jnp.cos(args)], axis=-1)


def mlp(x, W1, b1, W2, b2, W3, b3):
    h = jax.nn.gelu(x @ W1 + b1)
    h = jax.nn.gelu(h @ W2 + b2)
    return h @ W3 + b3


def nearest_neighbors(pos, k):
    d2 = jnp.sum((pos[:, None, :] - pos[None, :, :]) ** 2, axis=-1)
    _, idx = jax.lax.top_k(-d2, k)
    n = pos.shape[0]
    sources = jnp.repeat(jnp.arange(n), k)
    targets = idx.reshape(-1)
    return sources, targets


def et_layer(pos, vel, s, sources, targets, Wq, Wk, Wv, Wo, bo, Wg, bg, gamma):
    n = pos.shape[0]
    k = K
    rel = pos[targets] - pos[sources]              # gather: [n*k, 3]
    dist2 = jnp.sum(rel ** 2, axis=-1)
    q = s @ Wq
    kk = s @ Wk
    vv = s @ Wv
    logits = jnp.sum(q[sources] * kk[targets], axis=-1) / jnp.sqrt(float(D_H)) - gamma * dist2
    att = jax.nn.softmax(logits.reshape(n, k), axis=-1)
    vals = vv[targets].reshape(n, k, -1)           # gather: [n*k, d_cond]
    new_s = jnp.einsum('nk,nkd->nd', att, vals) @ Wo + bo
    gates = (s[targets] @ Wg + bg).reshape(n, k, 3)
    relr = rel.reshape(n, k, 3)
    velr = vel[targets].reshape(n, k, 3)           # gather: [n*k, 3]
    delta_pos = jnp.sum(att[..., None] * gates[..., 0:1] * relr, axis=1)
    delta_v = jnp.sum(att[..., None] * (gates[..., 1:2] * relr + gates[..., 2:3] * velr), axis=1)
    return delta_pos, jnp.concatenate([delta_v, new_s], axis=-1)


def setup_inputs(seed: int = 0) -> dict:
    key = jax.random.key(seed)
    ks = [jax.random.fold_in(key, i) for i in range(20)]
    inp = {}
    inp['z'] = jax.random.normal(ks[0], (B, N, D_Z), dtype=jnp.float32)
    inp['t'] = jax.random.uniform(ks[1], (B,), dtype=jnp.float32)
    inp['conditioning'] = jax.random.normal(ks[2], (B, D_COND_IN), dtype=jnp.float32)
    inp['mask'] = jnp.ones((B, N), dtype=bool)
    s = 0.1
    inp['W1'] = jax.random.normal(ks[3], (D_COND, 4 * D_COND), dtype=jnp.float32) * s
    inp['b1'] = jnp.zeros((4 * D_COND,), dtype=jnp.float32)
    inp['W2'] = jax.random.normal(ks[4], (4 * D_COND, 4 * D_COND), dtype=jnp.float32) * s
    inp['b2'] = jnp.zeros((4 * D_COND,), dtype=jnp.float32)
    inp['W3'] = jax.random.normal(ks[5], (4 * D_COND, D_COND), dtype=jnp.float32) * s
    inp['b3'] = jnp.zeros((D_COND,), dtype=jnp.float32)
    inp['Wq'] = jax.random.normal(ks[6], (D_COND, D_H), dtype=jnp.float32) * s
    inp['Wk'] = jax.random.normal(ks[7], (D_COND, D_H), dtype=jnp.float32) * s
    inp['Wv'] = jax.random.normal(ks[8], (D_COND, D_COND), dtype=jnp.float32) * s
    inp['Wo'] = jax.random.normal(ks[9], (D_COND, D_COND), dtype=jnp.float32) * s
    inp['bo'] = jnp.zeros((D_COND,), dtype=jnp.float32)
    inp['Wg'] = jax.random.normal(ks[10], (D_COND, 3), dtype=jnp.float32) * s
    inp['bg'] = jnp.zeros((3,), dtype=jnp.float32)
    inp['gamma'] = jnp.asarray(1.0, dtype=jnp.float32)
    return inp


def reference(z, t, conditioning, mask, W1, b1, W2, b2, W3, b3, Wq, Wk, Wv, Wo, bo, Wg, bg, gamma):
    t = t * jnp.ones(z.shape[0], dtype=jnp.float32)
    t_embedding = get_timestep_embedding(t, D_T)
    cond = jnp.concatenate([t_embedding, conditioning], axis=1)
    cond = mlp(cond, W1, b1, W2, b2, W3, b3)
    pos = z[..., :N_POS]
    vel = z[..., N_POS:2 * N_POS]
    mass = z[..., 2 * N_POS:]
    sources, targets = jax.vmap(nearest_neighbors, in_axes=(0, None))(z[..., :N_POS], K)
    feat_s = mass + cond[:, None, :]
    pos_out, feat_out = jax.vmap(
        et_layer, in_axes=(0, 0, 0, 0, 0) + (None,) * 8
    )(pos, vel, feat_s, sources, targets, Wq, Wk, Wv, Wo, bo, Wg, bg, gamma)
    h = jnp.concatenate([pos_out, feat_out], axis=-1)
    return z + h

if __name__ == "__main__":
    import jax
    _d = setup_inputs()
    print(jax.jit(kernel)(*tuple(_d.values())))

</pallas_src>

<mosaic_0001>
#map = affine_map<(d0, d1) -> (0, 0)>
module attributes {stable_mosaic.version = 14 : i64} {
  func.func @gather_k(%arg0: i32, %arg1: i32, %arg2: memref<8192x128xf32, #tpu.memory_space<hbm>>, %arg3: memref<1280x128xi32, #tpu.memory_space<hbm>>, %arg4: memref<163840x128xf32, #tpu.memory_space<hbm>>, %arg5: memref<40x128xi32, #tpu.memory_space<vmem>>, %arg6: memref<256x128xf32, #tpu.memory_space<vmem>>, %arg7: memref<256x128xf32, #tpu.memory_space<vmem>>, %arg8: memref<!tpu.dma_semaphore, #tpu.memory_space<semaphore_mem>>, %arg9: memref<!tpu.dma_semaphore, #tpu.memory_space<semaphore_mem>>) attributes {dimension_semantics = [#tpu.dimension_semantics<core_parallel>, #tpu.dimension_semantics<subcore_parallel>], iteration_bounds = array<i64: 2, 16>, scalar_prefetch = 0 : i64, scratch_operands = 5 : i64, tpu.core_type = #tpu.core_type<sc_vector_subcore>, window_params = [{transform_indices = #map}, {transform_indices = #map}, {transform_indices = #map}]} {
    %mul3A = arith.constant 2 : i32
    %mul3A_0 = arith.muli %arg1, %mul3A : i32
    %add3A = arith.addi %mul3A_0, %arg0 : i32
    %mul3A_1 = arith.constant 40 : i32
    %mul3A_2 = arith.muli %add3A, %mul3A_1 : i32
    %multiple_of3A = tpu.assume_multiple %mul3A_2, 8 : i32
    "tpu.region"() ({
      %run_scoped3A = tpu.sem_alloc : memref<!tpu.dma_semaphore, #tpu.memory_space<semaphore_mem>>
      %dma_start3A_46 = arith.constant 0 : i32
      %dma_start3A_47 = tpu.memref_slice %arg3[%multiple_of3A, %dma_start3A_46] : memref<1280x128xi32, #tpu.memory_space<hbm>> -> memref<40x128xi32, #tpu.memory_space<hbm>>
      %dma_start3A_48 = arith.constant 0 : i32
      %dma_start3A_49 = tpu.memref_slice %arg3[%multiple_of3A, %dma_start3A_48] : memref<1280x128xi32, #tpu.memory_space<hbm>> -> memref<40x128xi32, #tpu.memory_space<hbm>>
      tpu.enqueue_dma source(%dma_start3A_49 : memref<40x128xi32, #tpu.memory_space<hbm>>) target(%arg5 : memref<40x128xi32, #tpu.memory_space<vmem>>) target_semaphore(%run_scoped3A : memref<!tpu.dma_semaphore, #tpu.memory_space<semaphore_mem>>)
      %dma_wait3A_50 = arith.constant 0 : i32
      %dma_wait3A_51 = tpu.memref_slice %arg3[%multiple_of3A, %dma_wait3A_50] : memref<1280x128xi32, #tpu.memory_space<hbm>> -> memref<40x128xi32, #tpu.memory_space<hbm>>
      %dma_wait3A_52 = arith.constant 0 : i32
      %dma_wait3A_53 = tpu.memref_slice %arg3[%multiple_of3A, %dma_wait3A_52] : memref<1280x128xi32, #tpu.memory_space<hbm>> -> memref<40x128xi32, #tpu.memory_space<hbm>>
      tpu.wait_dma2 semaphore(%run_scoped3A : memref<!tpu.dma_semaphore, #tpu.memory_space<semaphore_mem>>) src(%dma_wait3A_53 : memref<40x128xi32, #tpu.memory_space<hbm>>) dst(%arg5 : memref<40x128xi32, #tpu.memory_space<vmem>>)
      tpu.yield
    }) : () -> ()
    %dma_start3A = arith.constant 0 : i32
    %dma_start3A_3 = arith.constant 0 : i32
    %dma_start3A_4 = arith.constant 0 : i32
    %dma_start3A_5 = tpu.memref_slice %arg6[%dma_start3A_3, %dma_start3A_4] : memref<256x128xf32, #tpu.memory_space<vmem>> -> memref<128x128xf32, #tpu.memory_space<vmem>>
    %dma_start3A_6 = arith.constant 0 : i32
    %dma_start3A_7 = tpu.memref_slice %arg5[%dma_start3A, %dma_start3A_6] : memref<40x128xi32, #tpu.memory_space<vmem>> -> memref<1x128xi32, #tpu.memory_space<vmem>>
    %dma_start3A_8 = tpu.memref_squeeze %dma_start3A_7 : memref<1x128xi32, #tpu.memory_space<vmem>> -> memref<128xi32, #tpu.memory_space<vmem>>
    %dma_start3A_9 = arith.constant 0 : i32
    %dma_start3A_10 = arith.constant 0 : i32
    %dma_start3A_11 = tpu.memref_slice %arg2[%dma_start3A_9, %dma_start3A_10] : memref<8192x128xf32, #tpu.memory_space<hbm>> -> memref<8192x128xf32, #tpu.memory_space<hbm>>
    tpu.enqueue_indirect_dma source(%dma_start3A_11 : memref<8192x128xf32, #tpu.memory_space<hbm>>) target(%dma_start3A_5 : memref<128x128xf32, #tpu.memory_space<vmem>>) offsets(%dma_start3A_8 : memref<128xi32, #tpu.memory_space<vmem>>) semaphore(%arg8 : memref<!tpu.dma_semaphore, #tpu.memory_space<semaphore_mem>>)
    %dma_start3A_12 = arith.constant 1 : i32
    %dma_start3A_13 = arith.constant 128 : i32
    %dma_start3A_14 = arith.constant 0 : i32
    %dma_start3A_15 = tpu.memref_slice %arg6[%dma_start3A_13, %dma_start3A_14] : memref<256x128xf32, #tpu.memory_space<vmem>> -> memref<128x128xf32, #tpu.memory_space<vmem>>
    %dma_start3A_16 = arith.constant 0 : i32
    %dma_start3A_17 = tpu.memref_slice %arg5[%dma_start3A_12, %dma_start3A_16] : memref<40x128xi32, #tpu.memory_space<vmem>> -> memref<1x128xi32, #tpu.memory_space<vmem>>
    %dma_start3A_18 = tpu.memref_squeeze %dma_start3A_17 : memref<1x128xi32, #tpu.memory_space<vmem>> -> memref<128xi32, #tpu.memory_space<vmem>>
    %dma_start3A_19 = arith.constant 0 : i32
    %dma_start3A_20 = arith.constant 0 : i32
    %dma_start3A_21 = tpu.memref_slice %arg2[%dma_start3A_19, %dma_start3A_20] : memref<8192x128xf32, #tpu.memory_space<hbm>> -> memref<8192x128xf32, #tpu.memory_space<hbm>>
    tpu.enqueue_indirect_dma source(%dma_start3A_21 : memref<8192x128xf32, #tpu.memory_space<hbm>>) target(%dma_start3A_15 : memref<128x128xf32, #tpu.memory_space<vmem>>) offsets(%dma_start3A_18 : memref<128xi32, #tpu.memory_space<vmem>>) semaphore(%arg8 : memref<!tpu.dma_semaphore, #tpu.memory_space<semaphore_mem>>)
    %scan3A = arith.constant 0 : i32
    %scan3A_22 = arith.constant 0 : i32
    %scan3A_23 = arith.constant 10 : i32
    %scan3A_24 = arith.addi %scan3A_22, %scan3A_23 : i32
    %scan3A_25 = arith.constant 1 : i32
    scf.for %scan3A_46 = %scan3A_22 to %scan3A_24 step %scan3A_25  : i32 {
      %mul3A_47 = arith.constant 2 : i32
      %mul3A_48 = arith.muli %mul3A_47, %scan3A_46 : i32
      %mul3A_49 = arith.constant 2 : i32
      %mul3A_50 = arith.muli %mul3A_49, %scan3A_46 : i32
      %add3A_51 = arith.constant 1 : i32
      %add3A_52 = arith.addi %mul3A_50, %add3A_51 : i32
      %add3A_53 = arith.constant 1 : i32
      %add3A_54 = arith.addi %add3A_52, %add3A_53 : i32
      %lt3A = arith.constant 20 : i32
      %lt3A_55 = arith.cmpi slt, %add3A_54, %lt3A : i32
      %add3A_56 = arith.constant 1 : i32
      %add3A_57 = arith.addi %add3A_52, %add3A_56 : i32
      %jit3A = arith.constant 0 : i32
      %select_n3A = arith.select %lt3A_55, %add3A_57, %jit3A : i32
      %mul3A_58 = arith.constant 2 : i32
      %mul3A_59 = arith.muli %mul3A_48, %mul3A_58 : i32
      %add3A_60 = arith.constant 0 : i32
      %add3A_61 = arith.addi %mul3A_59, %add3A_60 : i32
      %mul3A_62 = arith.constant 2 : i32
      %mul3A_63 = arith.muli %mul3A_48, %mul3A_62 : i32
      %add3A_64 = arith.constant 1 : i32
      %add3A_65 = arith.addi %mul3A_63, %add3A_64 : i32
      %dma_wait3A_66 = arith.constant 0 : i32
      %dma_wait3A_67 = arith.constant 0 : i32
      %dma_wait3A_68 = tpu.memref_slice %arg6[%dma_wait3A_66, %dma_wait3A_67] : memref<256x128xf32, #tpu.memory_space<vmem>> -> memref<128x128xf32, #tpu.memory_space<vmem>>
      %dma_wait3A_69 = arith.constant 0 : i32
      %dma_wait3A_70 = tpu.memref_slice %arg5[%add3A_61, %dma_wait3A_69] : memref<40x128xi32, #tpu.memory_space<vmem>> -> memref<1x128xi32, #tpu.memory_space<vmem>>
      %dma_wait3A_71 = tpu.memref_squeeze %dma_wait3A_70 : memref<1x128xi32, #tpu.memory_space<vmem>> -> memref<128xi32, #tpu.memory_space<vmem>>
      %dma_wait3A_72 = arith.constant 0 : i32
      %dma_wait3A_73 = arith.constant 0 : i32
      %dma_wait3A_74 = tpu.memref_slice %arg2[%dma_wait3A_72, %dma_wait3A_73] : memref<8192x128xf32, #tpu.memory_space<hbm>> -> memref<8192x128xf32, #tpu.memory_space<hbm>>
      tpu.wait_indirect_dma semaphore(%arg8 : memref<!tpu.dma_semaphore, #tpu.memory_space<semaphore_mem>>) src(%dma_wait3A_74 : memref<8192x128xf32, #tpu.memory_space<hbm>>) dst(%dma_wait3A_68 : memref<128x128xf32, #tpu.memory_space<vmem>>)
      %dma_wait3A_75 = arith.constant 128 : i32
      %dma_wait3A_76 = arith.constant 0 : i32
      %dma_wait3A_77 = tpu.memref_slice %arg6[%dma_wait3A_75, %dma_wait3A_76] : memref<256x128xf32, #tpu.memory_space<vmem>> -> memref<128x128xf32, #tpu.memory_space<vmem>>
      %dma_wait3A_78 = arith.constant 0 : i32
      %dma_wait3A_79 = tpu.memref_slice %arg5[%add3A_65, %dma_wait3A_78] : memref<40x128xi32, #tpu.memory_space<vmem>> -> memref<1x128xi32, #tpu.memory_space<vmem>>
      %dma_wait3A_80 = tpu.memref_squeeze %dma_wait3A_79 : memref<1x128xi32, #tpu.memory_space<vmem>> -> memref<128xi32, #tpu.memory_space<vmem>>
      %dma_wait3A_81 = arith.constant 0 : i32
      %dma_wait3A_82 = arith.constant 0 : i32
      %dma_wait3A_83 = tpu.memref_slice %arg2[%dma_wait3A_81, %dma_wait3A_82] : memref<8192x128xf32, #tpu.memory_space<hbm>> -> memref<8192x128xf32, #tpu.memory_space<hbm>>
      tpu.wait_indirect_dma semaphore(%arg8 : memref<!tpu.dma_semaphore, #tpu.memory_space<semaphore_mem>>) src(%dma_wait3A_83 : memref<8192x128xf32, #tpu.memory_space<hbm>>) dst(%dma_wait3A_77 : memref<128x128xf32, #tpu.memory_space<vmem>>)
      %mul3A_84 = arith.constant 2 : i32
      %mul3A_85 = arith.muli %add3A_52, %mul3A_84 : i32
      %add3A_86 = arith.constant 0 : i32
      %add3A_87 = arith.addi %mul3A_85, %add3A_86 : i32
      %dma_start3A_88 = arith.constant 0 : i32
      %dma_start3A_89 = arith.constant 0 : i32
      %dma_start3A_90 = tpu.memref_slice %arg7[%dma_start3A_88, %dma_start3A_89] : memref<256x128xf32, #tpu.memory_space<vmem>> -> memref<128x128xf32, #tpu.memory_space<vmem>>
      %dma_start3A_91 = arith.constant 0 : i32
      %dma_start3A_92 = tpu.memref_slice %arg5[%add3A_87, %dma_start3A_91] : memref<40x128xi32, #tpu.memory_space<vmem>> -> memref<1x128xi32, #tpu.memory_space<vmem>>
      %dma_start3A_93 = tpu.memref_squeeze %dma_start3A_92 : memref<1x128xi32, #tpu.memory_space<vmem>> -> memref<128xi32, #tpu.memory_space<vmem>>
      %dma_start3A_94 = arith.constant 0 : i32
      %dma_start3A_95 = arith.constant 0 : i32
      %dma_start3A_96 = tpu.memref_slice %arg2[%dma_start3A_94, %dma_start3A_95] : memref<8192x128xf32, #tpu.memory_space<hbm>> -> memref<8192x128xf32, #tpu.memory_space<hbm>>
      tpu.enqueue_indirect_dma source(%dma_start3A_96 : memref<8192x128xf32, #tpu.memory_space<hbm>>) target(%dma_start3A_90 : memref<128x128xf32, #tpu.memory_space<vmem>>) offsets(%dma_start3A_93 : memref<128xi32, #tpu.memory_space<vmem>>) semaphore(%arg9 : memref<!tpu.dma_semaphore, #tpu.memory_space<semaphore_mem>>)
      %mul3A_97 = arith.constant 2 : i32
      %mul3A_98 = arith.muli %add3A_52, %mul3A_97 : i32
      %add3A_99 = arith.constant 1 : i32
      %add3A_100 = arith.addi %mul3A_98, %add3A_99 : i32
      %dma_start3A_101 = arith.constant 128 : i32
      %dma_start3A_102 = arith.constant 0 : i32
      %dma_start3A_103 = tpu.memref_slice %arg7[%dma_start3A_101, %dma_start3A_102] : memref<256x128xf32, #tpu.memory_space<vmem>> -> memref<128x128xf32, #tpu.memory_space<vmem>>
      %dma_start3A_104 = arith.constant 0 : i32
      %dma_start3A_105 = tpu.memref_slice %arg5[%add3A_100, %dma_start3A_104] : memref<40x128xi32, #tpu.memory_space<vmem>> -> memref<1x128xi32, #tpu.memory_space<vmem>>
      %dma_start3A_106 = tpu.memref_squeeze %dma_start3A_105 : memref<1x128xi32, #tpu.memory_space<vmem>> -> memref<128xi32, #tpu.memory_space<vmem>>
      %dma_start3A_107 = arith.constant 0 : i32
      %dma_start3A_108 = arith.constant 0 : i32
      %dma_start3A_109 = tpu.memref_slice %arg2[%dma_start3A_107, %dma_start3A_108] : memref<8192x128xf32, #tpu.memory_space<hbm>> -> memref<8192x128xf32, #tpu.memory_space<hbm>>
      tpu.enqueue_indirect_dma source(%dma_start3A_109 : memref<8192x128xf32, #tpu.memory_space<hbm>>) target(%dma_start3A_103 : memref<128x128xf32, #tpu.memory_space<vmem>>) offsets(%dma_start3A_106 : memref<128xi32, #tpu.memory_space<vmem>>) semaphore(%arg9 : memref<!tpu.dma_semaphore, #tpu.memory_space<semaphore_mem>>)
      %mul3A_110 = arith.constant 5120 : i32
      %mul3A_111 = arith.muli %add3A, %mul3A_110 : i32
      %mul3A_112 = arith.constant 256 : i32
      %mul3A_113 = arith.muli %mul3A_48, %mul3A_112 : i32
      %add3A_114 = arith.addi %mul3A_111, %mul3A_113 : i32
      "tpu.region"() ({
        %run_scoped3A = tpu.sem_alloc : memref<!tpu.dma_semaphore, #tpu.memory_space<semaphore_mem>>
        %dma_start3A_172 = arith.constant 0 : i32
        %dma_start3A_173 = tpu.memref_slice %arg4[%add3A_114, %dma_start3A_172] : memref<163840x128xf32, #tpu.memory_space<hbm>> -> memref<256x128xf32, #tpu.memory_space<hbm>>
        %dma_start3A_174 = arith.constant 0 : i32
        %dma_start3A_175 = tpu.memref_slice %arg4[%add3A_114, %dma_start3A_174] : memref<163840x128xf32, #tpu.memory_space<hbm>> -> memref<256x128xf32, #tpu.memory_space<hbm>>
        tpu.enqueue_dma source(%arg6 : memref<256x128xf32, #tpu.memory_space<vmem>>) target(%dma_start3A_175 : memref<256x128xf32, #tpu.memory_space<hbm>>) target_semaphore(%run_scoped3A : memref<!tpu.dma_semaphore, #tpu.memory_space<semaphore_mem>>)
        %dma_wait3A_176 = arith.constant 0 : i32
        %dma_wait3A_177 = tpu.memref_slice %arg4[%add3A_114, %dma_wait3A_176] : memref<163840x128xf32, #tpu.memory_space<hbm>> -> memref<256x128xf32, #tpu.memory_space<hbm>>
        %dma_wait3A_178 = arith.constant 0 : i32
        %dma_wait3A_179 = tpu.memref_slice %arg4[%add3A_114, %dma_wait3A_178] : memref<163840x128xf32, #tpu.memory_space<hbm>> -> memref<256x128xf32, #tpu.memory_space<hbm>>
        tpu.wait_dma2 semaphore(%run_scoped3A : memref<!tpu.dma_semaphore, #tpu.memory_space<semaphore_mem>>) src(%arg6 : memref<256x128xf32, #tpu.memory_space<vmem>>) dst(%dma_wait3A_179 : memref<256x128xf32, #tpu.memory_space<hbm>>)
        tpu.yield
      }) : () -> ()
      %mul3A_115 = arith.constant 2 : i32
      %mul3A_116 = arith.muli %add3A_52, %mul3A_115 : i32
      %add3A_117 = arith.constant 0 : i32
      %add3A_118 = arith.addi %mul3A_116, %add3A_117 : i32
      %mul3A_119 = arith.constant 2 : i32
      %mul3A_120 = arith.muli %add3A_52, %mul3A_119 : i32
      %add3A_121 = arith.constant 1 : i32
      %add3A_122 = arith.addi %mul3A_120, %add3A_121 : i32
      %dma_wait3A_123 = arith.constant 0 : i32
      %dma_wait3A_124 = arith.constant 0 : i32
      %dma_wait3A_125 = tpu.memref_slice %arg7[%dma_wait3A_123, %dma_wait3A_124] : memref<256x128xf32, #tpu.memory_space<vmem>> -> memref<128x128xf32, #tpu.memory_space<vmem>>
      %dma_wait3A_126 = arith.constant 0 : i32
      %dma_wait3A_127 = tpu.memref_slice %arg5[%add3A_118, %dma_wait3A_126] : memref<40x128xi32, #tpu.memory_space<vmem>> -> memref<1x128xi32, #tpu.memory_space<vmem>>
      %dma_wait3A_128 = tpu.memref_squeeze %dma_wait3A_127 : memref<1x128xi32, #tpu.memory_space<vmem>> -> memref<128xi32, #tpu.memory_space<vmem>>
      %dma_wait3A_129 = arith.constant 0 : i32
      %dma_wait3A_130 = arith.constant 0 : i32
      %dma_wait3A_131 = tpu.memref_slice %arg2[%dma_wait3A_129, %dma_wait3A_130] : memref<8192x128xf32, #tpu.memory_space<hbm>> -> memref<8192x128xf32, #tpu.memory_space<hbm>>
      tpu.wait_indirect_dma semaphore(%arg9 : memref<!tpu.dma_semaphore, #tpu.memory_space<semaphore_mem>>) src(%dma_wait3A_131 : memref<8192x128xf32, #tpu.memory_space<hbm>>) dst(%dma_wait3A_125 : memref<128x128xf32, #tpu.memory_space<vmem>>)
      %dma_wait3A_132 = arith.constant 128 : i32
      %dma_wait3A_133 = arith.constant 0 : i32
      %dma_wait3A_134 = tpu.memref_slice %arg7[%dma_wait3A_132, %dma_wait3A_133] : memref<256x128xf32, #tpu.memory_space<vmem>> -> memref<128x128xf32, #tpu.memory_space<vmem>>
      %dma_wait3A_135 = arith.constant 0 : i32
      %dma_wait3A_136 = tpu.memref_slice %arg5[%add3A_122, %dma_wait3A_135] : memref<40x128xi32, #tpu.memory_space<vmem>> -> memref<1x128xi32, #tpu.memory_space<vmem>>
      %dma_wait3A_137 = tpu.memref_squeeze %dma_wait3A_136 : memref<1x128xi32, #tpu.memory_space<vmem>> -> memref<128xi32, #tpu.memory_space<vmem>>
      %dma_wait3A_138 = arith.constant 0 : i32
      %dma_wait3A_139 = arith.constant 0 : i32
      %dma_wait3A_140 = tpu.memref_slice %arg2[%dma_wait3A_138, %dma_wait3A_139] : memref<8192x128xf32, #tpu.memory_space<hbm>> -> memref<8192x128xf32, #tpu.memory_space<hbm>>
      tpu.wait_indirect_dma semaphore(%arg9 : memref<!tpu.dma_semaphore, #tpu.memory_space<semaphore_mem>>) src(%dma_wait3A_140 : memref<8192x128xf32, #tpu.memory_space<hbm>>) dst(%dma_wait3A_134 : memref<128x128xf32, #tpu.memory_space<vmem>>)
      %mul3A_141 = arith.constant 2 : i32
      %mul3A_142 = arith.muli %select_n3A, %mul3A_141 : i32
      %add3A_143 = arith.constant 0 : i32
      %add3A_144 = arith.addi %mul3A_142, %add3A_143 : i32
      %dma_start3A_145 = arith.constant 0 : i32
      %dma_start3A_146 = arith.constant 0 : i32
      %dma_start3A_147 = tpu.memref_slice %arg6[%dma_start3A_145, %dma_start3A_146] : memref<256x128xf32, #tpu.memory_space<vmem>> -> memref<128x128xf32, #tpu.memory_space<vmem>>
      %dma_start3A_148 = arith.constant 0 : i32
      %dma_start3A_149 = tpu.memref_slice %arg5[%add3A_144, %dma_start3A_148] : memref<40x128xi32, #tpu.memory_space<vmem>> -> memref<1x128xi32, #tpu.memory_space<vmem>>
      %dma_start3A_150 = tpu.memref_squeeze %dma_start3A_149 : memref<1x128xi32, #tpu.memory_space<vmem>> -> memref<128xi32, #tpu.memory_space<vmem>>
      %dma_start3A_151 = arith.constant 0 : i32
      %dma_start3A_152 = arith.constant 0 : i32
      %dma_start3A_153 = tpu.memref_slice %arg2[%dma_start3A_151, %dma_start3A_152] : memref<8192x128xf32, #tpu.memory_space<hbm>> -> memref<8192x128xf32, #tpu.memory_space<hbm>>
      tpu.enqueue_indirect_dma source(%dma_start3A_153 : memref<8192x128xf32, #tpu.memory_space<hbm>>) target(%dma_start3A_147 : memref<128x128xf32, #tpu.memory_space<vmem>>) offsets(%dma_start3A_150 : memref<128xi32, #tpu.memory_space<vmem>>) semaphore(%arg8 : memref<!tpu.dma_semaphore, #tpu.memory_space<semaphore_mem>>)
      %mul3A_154 = arith.constant 2 : i32
      %mul3A_155 = arith.muli %select_n3A, %mul3A_154 : i32
      %add3A_156 = arith.constant 1 : i32
      %add3A_157 = arith.addi %mul3A_155, %add3A_156 : i32
      %dma_start3A_158 = arith.constant 128 : i32
      %dma_start3A_159 = arith.constant 0 : i32
      %dma_start3A_160 = tpu.memref_slice %arg6[%dma_start3A_158, %dma_start3A_159] : memref<256x128xf32, #tpu.memory_space<vmem>> -> memref<128x128xf32, #tpu.memory_space<vmem>>
      %dma_start3A_161 = arith.constant 0 : i32
      %dma_start3A_162 = tpu.memref_slice %arg5[%add3A_157, %dma_start3A_161] : memref<40x128xi32, #tpu.memory_space<vmem>> -> memref<1x128xi32, #tpu.memory_space<vmem>>
      %dma_start3A_163 = tpu.memref_squeeze %dma_start3A_162 : memref<1x128xi32, #tpu.memory_space<vmem>> -> memref<128xi32, #tpu.memory_space<vmem>>
      %dma_start3A_164 = arith.constant 0 : i32
      %dma_start3A_165 = arith.constant 0 : i32
      %dma_start3A_166 = tpu.memref_slice %arg2[%dma_start3A_164, %dma_start3A_165] : memref<8192x128xf32, #tpu.memory_space<hbm>> -> memref<8192x128xf32, #tpu.memory_space<hbm>>
      tpu.enqueue_indirect_dma source(%dma_start3A_166 : memref<8192x128xf32, #tpu.memory_space<hbm>>) target(%dma_start3A_160 : memref<128x128xf32, #tpu.memory_space<vmem>>) offsets(%dma_start3A_163 : memref<128xi32, #tpu.memory_space<vmem>>) semaphore(%arg8 : memref<!tpu.dma_semaphore, #tpu.memory_space<semaphore_mem>>)
      %mul3A_167 = arith.constant 5120 : i32
      %mul3A_168 = arith.muli %add3A, %mul3A_167 : i32
      %mul3A_169 = arith.constant 256 : i32
      %mul3A_170 = arith.muli %add3A_52, %mul3A_169 : i32
      %add3A_171 = arith.addi %mul3A_168, %mul3A_170 : i32
      "tpu.region"() ({
        %run_scoped3A = tpu.sem_alloc : memref<!tpu.dma_semaphore, #tpu.memory_space<semaphore_mem>>
        %dma_start3A_172 = arith.constant 0 : i32
        %dma_start3A_173 = tpu.memref_slice %arg4[%add3A_171, %dma_start3A_172] : memref<163840x128xf32, #tpu.memory_space<hbm>> -> memref<256x128xf32, #tpu.memory_space<hbm>>
        %dma_start3A_174 = arith.constant 0 : i32
        %dma_start3A_175 = tpu.memref_slice %arg4[%add3A_171, %dma_start3A_174] : memref<163840x128xf32, #tpu.memory_space<hbm>> -> memref<256x128xf32, #tpu.memory_space<hbm>>
        tpu.enqueue_dma source(%arg7 : memref<256x128xf32, #tpu.memory_space<vmem>>) target(%dma_start3A_175 : memref<256x128xf32, #tpu.memory_space<hbm>>) target_semaphore(%run_scoped3A : memref<!tpu.dma_semaphore, #tpu.memory_space<semaphore_mem>>)
        %dma_wait3A_176 = arith.constant 0 : i32
        %dma_wait3A_177 = tpu.memref_slice %arg4[%add3A_171, %dma_wait3A_176] : memref<163840x128xf32, #tpu.memory_space<hbm>> -> memref<256x128xf32, #tpu.memory_space<hbm>>
        %dma_wait3A_178 = arith.constant 0 : i32
        %dma_wait3A_179 = tpu.memref_slice %arg4[%add3A_171, %dma_wait3A_178] : memref<163840x128xf32, #tpu.memory_space<hbm>> -> memref<256x128xf32, #tpu.memory_space<hbm>>
        tpu.wait_dma2 semaphore(%run_scoped3A : memref<!tpu.dma_semaphore, #tpu.memory_space<semaphore_mem>>) src(%arg7 : memref<256x128xf32, #tpu.memory_space<vmem>>) dst(%dma_wait3A_179 : memref<256x128xf32, #tpu.memory_space<hbm>>)
        tpu.yield
      }) : () -> ()
    }
    %scan3A_26 = arith.constant 10 : i32
    %dma_wait3A = arith.constant 0 : i32
    %dma_wait3A_27 = arith.constant 0 : i32
    %dma_wait3A_28 = arith.constant 0 : i32
    %dma_wait3A_29 = tpu.memref_slice %arg6[%dma_wait3A_27, %dma_wait3A_28] : memref<256x128xf32, #tpu.memory_space<vmem>> -> memref<128x128xf32, #tpu.memory_space<vmem>>
    %dma_wait3A_30 = arith.constant 0 : i32
    %dma_wait3A_31 = tpu.memref_slice %arg5[%dma_wait3A, %dma_wait3A_30] : memref<40x128xi32, #tpu.memory_space<vmem>> -> memref<1x128xi32, #tpu.memory_space<vmem>>
    %dma_wait3A_32 = tpu.memref_squeeze %dma_wait3A_31 : memref<1x128xi32, #tpu.memory_space<vmem>> -> memref<128xi32, #tpu.memory_space<vmem>>
    %dma_wait3A_33 = arith.constant 0 : i32
    %dma_wait3A_34 = arith.constant 0 : i32
    %dma_wait3A_35 = tpu.memref_slice %arg2[%dma_wait3A_33, %dma_wait3A_34] : memref<8192x128xf32, #tpu.memory_space<hbm>> -> memref<8192x128xf32, #tpu.memory_space<hbm>>
    tpu.wait_indirect_dma semaphore(%arg8 : memref<!tpu.dma_semaphore, #tpu.memory_space<semaphore_mem>>) src(%dma_wait3A_35 : memref<8192x128xf32, #tpu.memory_space<hbm>>) dst(%dma_wait3A_29 : memref<128x128xf32, #tpu.memory_space<vmem>>)
    %dma_wait3A_36 = arith.constant 1 : i32
    %dma_wait3A_37 = arith.constant 128 : i32
    %dma_wait3A_38 = arith.constant 0 : i32
    %dma_wait3A_39 = tpu.memref_slice %arg6[%dma_wait3A_37, %dma_wait3A_38] : memref<256x128xf32, #tpu.memory_space<vmem>> -> memref<128x128xf32, #tpu.memory_space<vmem>>
    %dma_wait3A_40 = arith.constant 0 : i32
    %dma_wait3A_41 = tpu.memref_slice %arg5[%dma_wait3A_36, %dma_wait3A_40] : memref<40x128xi32, #tpu.memory_space<vmem>> -> memref<1x128xi32, #tpu.memory_space<vmem>>
    %dma_wait3A_42 = tpu.memref_squeeze %dma_wait3A_41 : memref<1x128xi32, #tpu.memory_space<vmem>> -> memref<128xi32, #tpu.memory_space<vmem>>
    %dma_wait3A_43 = arith.constant 0 : i32
    %dma_wait3A_44 = arith.constant 0 : i32
    %dma_wait3A_45 = tpu.memref_slice %arg2[%dma_wait3A_43, %dma_wait3A_44] : memref<8192x128xf32, #tpu.memory_space<hbm>> -> memref<8192x128xf32, #tpu.memory_space<hbm>>
    tpu.wait_indirect_dma semaphore(%arg8 : memref<!tpu.dma_semaphore, #tpu.memory_space<semaphore_mem>>) src(%dma_wait3A_45 : memref<8192x128xf32, #tpu.memory_space<hbm>>) dst(%dma_wait3A_39 : memref<128x128xf32, #tpu.memory_space<vmem>>)
    return
  }
}

module attributes {stable_mosaic.version = 14 : i64} {
  func.func @_knn_kernel(%arg0: i32, %arg1: i32, %arg2: memref<1x256x54xf32, #tpu.memory_space<vmem>>, %arg3: memref<1x3x4096xf32, #tpu.memory_space<vmem>>, %arg4: memref<1x256x20xi32, #tpu.memory_space<vmem>>) attributes {dimension_semantics = [#tpu.dimension_semantics<arbitrary>, #tpu.dimension_semantics<arbitrary>], iteration_bounds = array<i64: 2, 16>, scalar_prefetch = 0 : i64, scratch_operands = 0 : i64, tpu.core_type = #tpu.core_type<tc>, window_params = [{transform_indices = @transform_0, window_bounds = array<i64: 1, 256, 54>}, {transform_indices = @transform_1, window_bounds = array<i64: 1, 3, 4096>}, {transform_indices = @transform_2, window_bounds = array<i64: 1, 256, 20>}]} {
    %get3A = arith.constant 0 : index
    %get3A_0 = arith.constant 0 : index
    %get3A_1 = arith.constant 0 : index
    %get3A_2 = vector.load %arg2[%get3A, %get3A_0, %get3A_1] : memref<1x256x54xf32, #tpu.memory_space<vmem>>, vector<1x256x54xf32>
    %get3A_3 = vector.shape_cast %get3A_2 : vector<1x256x54xf32> to vector<256x54xf32>
    %get3A_4 = arith.constant 0 : index
    %get3A_5 = arith.constant 0 : index
    %get3A_6 = arith.constant 0 : index
    %get3A_7 = vector.load %arg3[%get3A_4, %get3A_5, %get3A_6] : memref<1x3x4096xf32, #tpu.memory_space<vmem>>, vector<1x1x4096xf32>
    %get3A_8 = vector.shape_cast %get3A_7 : vector<1x1x4096xf32> to vector<1x4096xf32>
    %slice3A = vector.extract_strided_slice %get3A_3 {offsets = [0, 0], sizes = [256, 1], strides = [1, 1]} : vector<256x54xf32> to vector<256x1xf32>
    %sub3A = vector.broadcast %get3A_8 : vector<1x4096xf32> to vector<256x4096xf32>
    %sub3A_9 = vector.broadcast %slice3A : vector<256x1xf32> to vector<256x4096xf32>
    %sub3A_10 = arith.subf %sub3A, %sub3A_9 : vector<256x4096xf32>
    %mul3A = arith.mulf %sub3A_10, %sub3A_10 : vector<256x4096xf32>
    %get3A_11 = arith.constant 0 : index
    %get3A_12 = arith.constant 1 : index
    %get3A_13 = arith.constant 0 : index
    %get3A_14 = vector.load %arg3[%get3A_11, %get3A_12, %get3A_13] : memref<1x3x4096xf32, #tpu.memory_space<vmem>>, vector<1x1x4096xf32>
    %get3A_15 = vector.shape_cast %get3A_14 : vector<1x1x4096xf32> to vector<1x4096xf32>
    %slice3A_16 = vector.extract_strided_slice %get3A_3 {offsets = [0, 1], sizes = [256, 1], strides = [1, 1]} : vector<256x54xf32> to vector<256x1xf32>
    %sub3A_17 = vector.broadcast %get3A_15 : vector<1x4096xf32> to vector<256x4096xf32>
    %sub3A_18 = vector.broadcast %slice3A_16 : vector<256x1xf32> to vector<256x4096xf32>
    %sub3A_19 = arith.subf %sub3A_17, %sub3A_18 : vector<256x4096xf32>
    %mul3A_20 = arith.mulf %sub3A_19, %sub3A_19 : vector<256x4096xf32>
    %add3A = arith.addf %mul3A, %mul3A_20 : vector<256x4096xf32>
    %get3A_21 = arith.constant 0 : index
    %get3A_22 = arith.constant 2 : index
    %get3A_23 = arith.constant 0 : index
    %get3A_24 = vector.load %arg3[%get3A_21, %get3A_22, %get3A_23] : memref<1x3x4096xf32, #tpu.memory_space<vmem>>, vector<1x1x4096xf32>
    %get3A_25 = vector.shape_cast %get3A_24 : vector<1x1x4096xf32> to vector<1x4096xf32>
    %slice3A_26 = vector.extract_strided_slice %get3A_3 {offsets = [0, 2], sizes = [256, 1], strides = [1, 1]} : vector<256x54xf32> to vector<256x1xf32>
    %sub3A_27 = vector.broadcast %get3A_25 : vector<1x4096xf32> to vector<256x4096xf32>
    %sub3A_28 = vector.broadcast %slice3A_26 : vector<256x1xf32> to vector<256x4096xf32>
    %sub3A_29 = arith.subf %sub3A_27, %sub3A_28 : vector<256x4096xf32>
    %mul3A_30 = arith.mulf %sub3A_29, %sub3A_29 : vector<256x4096xf32>
    %add3A_31 = arith.addf %add3A, %mul3A_30 : vector<256x4096xf32>
    %iota3A = tpu.iota {dimensions = array<i32: 1>} : vector<256x4096xi32>
    %bitcast_convert_type3A = tpu.bitcast %add3A_31 : vector<256x4096xf32> -> vector<256x4096xi32>
    %and3A = arith.constant -4096 : i32
    %and3A_32 = vector.broadcast %and3A : i32 to vector<256x4096xi32>
    %and3A_33 = arith.andi %bitcast_convert_type3A, %and3A_32 : vector<256x4096xi32>
    %or3A = arith.ori %and3A_33, %iota3A : vector<256x4096xi32>
    %add3A_34 = arith.constant 8388608 : i32
    %add3A_35 = vector.broadcast %add3A_34 : i32 to vector<256x4096xi32>
    %add3A_36 = arith.addi %or3A, %add3A_35 : vector<256x4096xi32>
    %bitcast_convert_type3A_37 = tpu.bitcast %add3A_36 : vector<256x4096xi32> -> vector<256x4096xf32>
    %mul3A_38 = arith.constant 4096 : i32
    %mul3A_39 = arith.muli %arg0, %mul3A_38 : i32
    %reduce_min3A = arith.constant dense<0x7F800000> : vector<256xf32>
    %reduce_min3A_40 = vector.multi_reduction <minimumf>, %bitcast_convert_type3A_37, %reduce_min3A [1] : vector<256x4096xf32> to vector<256xf32>
    %broadcast_in_dim3A = vector.shape_cast %reduce_min3A_40 : vector<256xf32> to vector<256x1xf32>
    %bitcast_convert_type3A_41 = tpu.bitcast %broadcast_in_dim3A : vector<256x1xf32> -> vector<256x1xi32>
    %and3A_42 = arith.constant 4095 : i32
    %and3A_43 = vector.broadcast %and3A_42 : i32 to vector<256x1xi32>
    %and3A_44 = arith.andi %bitcast_convert_type3A_41, %and3A_43 : vector<256x1xi32>
    %add3A_45 = vector.broadcast %mul3A_39 : i32 to vector<256x1xi32>
    %add3A_46 = arith.addi %and3A_44, %add3A_45 : vector<256x1xi32>
    %eq3A = vector.broadcast %broadcast_in_dim3A : vector<256x1xf32> to vector<256x4096xf32>
    %eq3A_47 = arith.cmpf oeq, %bitcast_convert_type3A_37, %eq3A : vector<256x4096xf32>
    %jit3A = arith.constant 0x7F800000 : f32
    %broadcast_in_dim3A_48 = vector.broadcast %jit3A : f32 to vector<256x4096xf32>
    %select_n3A = arith.select %eq3A_47, %broadcast_in_dim3A_48, %bitcast_convert_type3A_37 : vector<256x4096xi1>, vector<256x4096xf32>
    %reduce_min3A_49 = arith.constant dense<0x7F800000> : vector<256xf32>
    %reduce_min3A_50 = vector.multi_reduction <minimumf>, %select_n3A, %reduce_min3A_49 [1] : vector<256x4096xf32> to vector<256xf32>
    %broadcast_in_dim3A_51 = vector.shape_cast %reduce_min3A_50 : vector<256xf32> to vector<256x1xf32>
    %bitcast_convert_type3A_52 = tpu.bitcast %broadcast_in_dim3A_51 : vector<256x1xf32> -> vector<256x1xi32>
    %and3A_53 = arith.constant 4095 : i32
    %and3A_54 = vector.broadcast %and3A_53 : i32 to vector<256x1xi32>
    %and3A_55 = arith.andi %bitcast_convert_type3A_52, %and3A_54 : vector<256x1xi32>
    %add3A_56 = vector.broadcast %mul3A_39 : i32 to vector<256x1xi32>
    %add3A_57 = arith.addi %and3A_55, %add3A_56 : vector<256x1xi32>
    %eq3A_58 = vector.broadcast %broadcast_in_dim3A_51 : vector<256x1xf32> to vector<256x4096xf32>
    %eq3A_59 = arith.cmpf oeq, %select_n3A, %eq3A_58 : vector<256x4096xf32>
    %jit3A_60 = arith.constant 0x7F800000 : f32
    %broadcast_in_dim3A_61 = vector.broadcast %jit3A_60 : f32 to vector<256x4096xf32>
    %select_n3A_62 = arith.select %eq3A_59, %broadcast_in_dim3A_61, %select_n3A : vector<256x4096xi1>, vector<256x4096xf32>
    %reduce_min3A_63 = arith.constant dense<0x7F800000> : vector<256xf32>
    %reduce_min3A_64 = vector.multi_reduction <minimumf>, %select_n3A_62, %reduce_min3A_63 [1] : vector<256x4096xf32> to vector<256xf32>
    %broadcast_in_dim3A_65 = vector.shape_cast %reduce_min3A_64 : vector<256xf32> to vector<256x1xf32>
    %bitcast_convert_type3A_66 = tpu.bitcast %broadcast_in_dim3A_65 : vector<256x1xf32> -> vector<256x1xi32>
    %and3A_67 = arith.constant 4095 : i32
    %and3A_68 = vector.broadcast %and3A_67 : i32 to vector<256x1xi32>
    %and3A_69 = arith.andi %bitcast_convert_type3A_66, %and3A_68 : vector<256x1xi32>
    %add3A_70 = vector.broadcast %mul3A_39 : i32 to vector<256x1xi32>
    %add3A_71 = arith.addi %and3A_69, %add3A_70 : vector<256x1xi32>
    %eq3A_72 = vector.broadcast %broadcast_in_dim3A_65 : vector<256x1xf32> to vector<256x4096xf32>
    %eq3A_73 = arith.cmpf oeq, %select_n3A_62, %eq3A_72 : vector<256x4096xf32>
    %jit3A_74 = arith.constant 0x7F800000 : f32
    %broadcast_in_dim3A_75 = vector.broadcast %jit3A_74 : f32 to vector<256x4096xf32>
    %select_n3A_76 = arith.select %eq3A_73, %broadcast_in_dim3A_75, %select_n3A_62 : vector<256x4096xi1>, vector<256x4096xf32>
    %reduce_min3A_77 = arith.constant dense<0x7F800000> : vector<256xf32>
    %reduce_min3A_78 = vector.multi_reduction <minimumf>, %select_n3A_76, %reduce_min3A_77 [1] : vector<256x4096xf32> to vector<256xf32>
    %broadcast_in_dim3A_79 = vector.shape_cast %reduce_min3A_78 : vector<256xf32> to vector<256x1xf32>
    %bitcast_convert_type3A_80 = tpu.bitcast %broadcast_in_dim3A_79 : vector<256x1xf32> -> vector<256x1xi32>
    %and3A_81 = arith.constant 4095 : i32
    %and3A_82 = vector.broadcast %and3A_81 : i32 to vector<256x1xi32>
    %and3A_83 = arith.andi %bitcast_convert_type3A_80, %and3A_82 : vector<256x1xi32>
    %add3A_84 = vector.broadcast %mul3A_39 : i32 to vector<256x1xi32>
    %add3A_85 = arith.addi %and3A_83, %add3A_84 : vector<256x1xi32>
    %eq3A_86 = vector.broadcast %broadcast_in_dim3A_79 : vector<256x1xf32> to vector<256x4096xf32>
    %eq3A_87 = arith.cmpf oeq, %select_n3A_76, %eq3A_86 : vector<256x4096xf32>
    %jit3A_88 = arith.constant 0x7F800000 : f32
    %broadcast_in_dim3A_89 = vector.broadcast %jit3A_88 : f32 to vector<256x4096xf32>
    %select_n3A_90 = arith.select %eq3A_87, %broadcast_in_dim3A_89, %select_n3A_76 : vector<256x4096xi1>, vector<256x4096xf32>
    %reduce_min3A_91 = arith.constant dense<0x7F800000> : vector<256xf32>
    %reduce_min3A_92 = vector.multi_reduction <minimumf>, %select_n3A_90, %reduce_min3A_91 [1] : vector<256x4096xf32> to vector<256xf32>
    %broadcast_in_dim3A_93 = vector.shape_cast %reduce_min3A_92 : vector<256xf32> to vector<256x1xf32>
    %bitcast_convert_type3A_94 = tpu.bitcast %broadcast_in_dim3A_93 : vector<256x1xf32> -> vector<256x1xi32>
    %and3A_95 = arith.constant 4095 : i32
    %and3A_96 = vector.broadcast %and3A_95 : i32 to vector<256x1xi32>
    %and3A_97 = arith.andi %bitcast_convert_type3A_94, %and3A_96 : vector<256x1xi32>
    %add3A_98 = vector.broadcast %mul3A_39 : i32 to vector<256x1xi32>
    %add3A_99 = arith.addi %and3A_97, %add3A_98 : vector<256x1xi32>
    %eq3A_100 = vector.broadcast %broadcast_in_dim3A_93 : vector<256x1xf32> to vector<256x4096xf32>
    %eq3A_101 = arith.cmpf oeq, %select_n3A_90, %eq3A_100 : vector<256x4096xf32>
    %jit3A_102 = arith.constant 0x7F800000 : f32
    %broadcast_in_dim3A_103 = vector.broadcast %jit3A_102 : f32 to vector<256x4096xf32>
    %select_n3A_104 = arith.select %eq3A_101, %broadcast_in_dim3A_103, %select_n3A_90 : vector<256x4096xi1>, vector<256x4096xf32>
    %reduce_min3A_105 = arith.constant dense<0x7F800000> : vector<256xf32>
    %reduce_min3A_106 = vector.multi_reduction <minimumf>, %select_n3A_104, %reduce_min3A_105 [1] : vector<256x4096xf32> to vector<256xf32>
    %broadcast_in_dim3A_107 = vector.shape_cast %reduce_min3A_106 : vector<256xf32> to vector<256x1xf32>
    %bitcast_convert_type3A_108 = tpu.bitcast %broadcast_in_dim3A_107 : vector<256x1xf32> -> vector<256x1xi32>
    %and3A_109 = arith.constant 4095 : i32
    %and3A_110 = vector.broadcast %and3A_109 : i32 to vector<256x1xi32>
    %and3A_111 = arith.andi %bitcast_convert_type3A_108, %and3A_110 : vector<256x1xi32>
    %add3A_112 = vector.broadcast %mul3A_39 : i32 to vector<256x1xi32>
    %add3A_113 = arith.addi %and3A_111, %add3A_112 : vector<256x1xi32>
    %eq3A_114 = vector.broadcast %broadcast_in_dim3A_107 : vector<256x1xf32> to vector<256x4096xf32>
    %eq3A_115 = arith.cmpf oeq, %select_n3A_104, %eq3A_114 : vector<256x4096xf32>
    %jit3A_116 = arith.constant 0x7F800000 : f32
    %broadcast_in_dim3A_117 = vector.broadcast %jit3A_116 : f32 to vector<256x4096xf32>
    %select_n3A_118 = arith.select %eq3A_115, %broadcast_in_dim3A_117, %select_n3A_104 : vector<256x4096xi1>, vector<256x4096xf32>
    %reduce_min3A_119 = arith.constant dense<0x7F800000> : vector<256xf32>
    %reduce_min3A_120 = vector.multi_reduction <minimumf>, %select_n3A_118, %reduce_min3A_119 [1] : vector<256x4096xf32> to vector<256xf32>
    %broadcast_in_dim3A_121 = vector.shape_cast %reduce_min3A_120 : vector<256xf32> to vector<256x1xf32>
    %bitcast_convert_type3A_122 = tpu.bitcast %broadcast_in_dim3A_121 : vector<256x1xf32> -> vector<256x1xi32>
    %and3A_123 = arith.constant 4095 : i32
    %and3A_124 = vector.broadcast %and3A_123 : i32 to vector<256x1xi32>
    %and3A_125 = arith.andi %bitcast_convert_type3A_122, %and3A_124 : vector<256x1xi32>
    %add3A_126 = vector.broadcast %mul3A_39 : i32 to vector<256x1xi32>
    %add3A_127 = arith.addi %and3A_125, %add3A_126 : vector<256x1xi32>
    %eq3A_128 = vector.broadcast %broadcast_in_dim3A_121 : vector<256x1xf32> to vector<256x4096xf32>
    %eq3A_129 = arith.cmpf oeq, %select_n3A_118, %eq3A_128 : vector<256x4096xf32>
    %jit3A_130 = arith.constant 0x7F800000 : f32
    %broadcast_in_dim3A_131 = vector.broadcast %jit3A_130 : f32 to vector<256x4096xf32>
    %select_n3A_132 = arith.select %eq3A_129, %broadcast_in_dim3A_131, %select_n3A_118 : vector<256x4096xi1>, vector<256x4096xf32>
    %reduce_min3A_133 = arith.constant dense<0x7F800000> : vector<256xf32>
    %reduce_min3A_134 = vector.multi_reduction <minimumf>, %select_n3A_132, %reduce_min3A_133 [1] : vector<256x4096xf32> to vector<256xf32>
    %broadcast_in_dim3A_135 = vector.shape_cast %reduce_min3A_134 : vector<256xf32> to vector<256x1xf32>
    %bitcast_convert_type3A_136 = tpu.bitcast %broadcast_in_dim3A_135 : vector<256x1xf32> -> vector<256x1xi32>
    %and3A_137 = arith.constant 4095 : i32
    %and3A_138 = vector.broadcast %and3A_137 : i32 to vector<256x1xi32>
    %and3A_139 = arith.andi %bitcast_convert_type3A_136, %and3A_138 : vector<256x1xi32>
    %add3A_140 = vector.broadcast %mul3A_39 : i32 to vector<256x1xi32>
    %add3A_141 = arith.addi %and3A_139, %add3A_140 : vector<256x1xi32>
    %eq3A_142 = vector.broadcast %broadcast_in_dim3A_135 : vector<256x1xf32> to vector<256x4096xf32>
    %eq3A_143 = arith.cmpf oeq, %select_n3A_132, %eq3A_142 : vector<256x4096xf32>
    %jit3A_144 = arith.constant 0x7F800000 : f32
    %broadcast_in_dim3A_145 = vector.broadcast %jit3A_144 : f32 to vector<256x4096xf32>
    %select_n3A_146 = arith.select %eq3A_143, %broadcast_in_dim3A_145, %select_n3A_132 : vector<256x4096xi1>, vector<256x4096xf32>
    %reduce_min3A_147 = arith.constant dense<0x7F800000> : vector<256xf32>
    %reduce_min3A_148 = vector.multi_reduction <minimumf>, %select_n3A_146, %reduce_min3A_147 [1] : vector<256x4096xf32> to vector<256xf32>
    %broadcast_in_dim3A_149 = vector.shape_cast %reduce_min3A_148 : vector<256xf32> to vector<256x1xf32>
    %bitcast_convert_type3A_150 = tpu.bitcast %broadcast_in_dim3A_149 : vector<256x1xf32> -> vector<256x1xi32>
    %and3A_151 = arith.constant 4095 : i32
    %and3A_152 = vector.broadcast %and3A_151 : i32 to vector<256x1xi32>
    %and3A_153 = arith.andi %bitcast_convert_type3A_150, %and3A_152 : vector<256x1xi32>
    %add3A_154 = vector.broadcast %mul3A_39 : i32 to vector<256x1xi32>
    %add3A_155 = arith.addi %and3A_153, %add3A_154 : vector<256x1xi32>
    %eq3A_156 = vector.broadcast %broadcast_in_dim3A_149 : vector<256x1xf32> to vector<256x4096xf32>
    %eq3A_157 = arith.cmpf oeq, %select_n3A_146, %eq3A_156 : vector<256x4096xf32>
    %jit3A_158 = arith.constant 0x7F800000 : f32
    %broadcast_in_dim3A_159 = vector.broadcast %jit3A_158 : f32 to vector<256x4096xf32>
    %select_n3A_160 = arith.select %eq3A_157, %broadcast_in_dim3A_159, %select_n3A_146 : vector<256x4096xi1>, vector<256x4096xf32>
    %reduce_min3A_161 = arith.constant dense<0x7F800000> : vector<256xf32>
    %reduce_min3A_162 = vector.multi_reduction <minimumf>, %select_n3A_160, %reduce_min3A_161 [1] : vector<256x4096xf32> to vector<256xf32>
    %broadcast_in_dim3A_163 = vector.shape_cast %reduce_min3A_162 : vector<256xf32> to vector<256x1xf32>
    %bitcast_convert_type3A_164 = tpu.bitcast %broadcast_in_dim3A_163 : vector<256x1xf32> -> vector<256x1xi32>
    %and3A_165 = arith.constant 4095 : i32
    %and3A_166 = vector.broadcast %and3A_165 : i32 to vector<256x1xi32>
    %and3A_167 = arith.andi %bitcast_convert_type3A_164, %and3A_166 : vector<256x1xi32>
    %add3A_168 = vector.broadcast %mul3A_39 : i32 to vector<256x1xi32>
    %add3A_169 = arith.addi %and3A_167, %add3A_168 : vector<256x1xi32>
    %eq3A_170 = vector.broadcast %broadcast_in_dim3A_163 : vector<256x1xf32> to vector<256x4096xf32>
    %eq3A_171 = arith.cmpf oeq, %select_n3A_160, %eq3A_170 : vector<256x4096xf32>
    %jit3A_172 = arith.constant 0x7F800000 : f32
    %broadcast_in_dim3A_173 = vector.broadcast %jit3A_172 : f32 to vector<256x4096xf32>
    %select_n3A_174 = arith.select %eq3A_171, %broadcast_in_dim3A_173, %select_n3A_160 : vector<256x4096xi1>, vector<256x4096xf32>
    %reduce_min3A_175 = arith.constant dense<0x7F800000> : vector<256xf32>
    %reduce_min3A_176 = vector.multi_reduction <minimumf>, %select_n3A_174, %reduce_min3A_175 [1] : vector<256x4096xf32> to vector<256xf32>
    %broadcast_in_dim3A_177 = vector.shape_cast %reduce_min3A_176 : vector<256xf32> to vector<256x1xf32>
    %bitcast_convert_type3A_178 = tpu.bitcast %broadcast_in_dim3A_177 : vector<256x1xf32> -> vector<256x1xi32>
    %and3A_179 = arith.constant 4095 : i32
    %and3A_180 = vector.broadcast %and3A_179 : i32 to vector<256x1xi32>
    %and3A_181 = arith.andi %bitcast_convert_type3A_178, %and3A_180 : vector<256x1xi32>
    %add3A_182 = vector.broadcast %mul3A_39 : i32 to vector<256x1xi32>
    %add3A_183 = arith.addi %and3A_181, %add3A_182 : vector<256x1xi32>
    %eq3A_184 = vector.broadcast %broadcast_in_dim3A_177 : vector<256x1xf32> to vector<256x4096xf32>
    %eq3A_185 = arith.cmpf oeq, %select_n3A_174, %eq3A_184 : vector<256x4096xf32>
    %jit3A_186 = arith.constant 0x7F800000 : f32
    %broadcast_in_dim3A_187 = vector.broadcast %jit3A_186 : f32 to vector<256x4096xf32>
    %select_n3A_188 = arith.select %eq3A_185, %broadcast_in_dim3A_187, %select_n3A_174 : vector<256x4096xi1>, vector<256x4096xf32>
    %reduce_min3A_189 = arith.constant dense<0x7F800000> : vector<256xf32>
    %reduce_min3A_190 = vector.multi_reduction <minimumf>, %select_n3A_188, %reduce_min3A_189 [1] : vector<256x4096xf32> to vector<256xf32>
    %broadcast_in_dim3A_191 = vector.shape_cast %reduce_min3A_190 : vector<256xf32> to vector<256x1xf32>
    %bitcast_convert_type3A_192 = tpu.bitcast %broadcast_in_dim3A_191 : vector<256x1xf32> -> vector<256x1xi32>
    %and3A_193 = arith.constant 4095 : i32
    %and3A_194 = vector.broadcast %and3A_193 : i32 to vector<256x1xi32>
    %and3A_195 = arith.andi %bitcast_convert_type3A_192, %and3A_194 : vector<256x1xi32>
    %add3A_196 = vector.broadcast %mul3A_39 : i32 to vector<256x1xi32>
    %add3A_197 = arith.addi %and3A_195, %add3A_196 : vector<256x1xi32>
    %eq3A_198 = vector.broadcast %broadcast_in_dim3A_191 : vector<256x1xf32> to vector<256x4096xf32>
    %eq3A_199 = arith.cmpf oeq, %select_n3A_188, %eq3A_198 : vector<256x4096xf32>
    %jit3A_200 = arith.constant 0x7F800000 : f32
    %broadcast_in_dim3A_201 = vector.broadcast %jit3A_200 : f32 to vector<256x4096xf32>
    %select_n3A_202 = arith.select %eq3A_199, %broadcast_in_dim3A_201, %select_n3A_188 : vector<256x4096xi1>, vector<256x4096xf32>
    %reduce_min3A_203 = arith.constant dense<0x7F800000> : vector<256xf32>
    %reduce_min3A_204 = vector.multi_reduction <minimumf>, %select_n3A_202, %reduce_min3A_203 [1] : vector<256x4096xf32> to vector<256xf32>
    %broadcast_in_dim3A_205 = vector.shape_cast %reduce_min3A_204 : vector<256xf32> to vector<256x1xf32>
    %bitcast_convert_type3A_206 = tpu.bitcast %broadcast_in_dim3A_205 : vector<256x1xf32> -> vector<256x1xi32>
    %and3A_207 = arith.constant 4095 : i32
    %and3A_208 = vector.broadcast %and3A_207 : i32 to vector<256x1xi32>
    %and3A_209 = arith.andi %bitcast_convert_type3A_206, %and3A_208 : vector<256x1xi32>
    %add3A_210 = vector.broadcast %mul3A_39 : i32 to vector<256x1xi32>
    %add3A_211 = arith.addi %and3A_209, %add3A_210 : vector<256x1xi32>
    %eq3A_212 = vector.broadcast %broadcast_in_dim3A_205 : vector<256x1xf32> to vector<256x4096xf32>
    %eq3A_213 = arith.cmpf oeq, %select_n3A_202, %eq3A_212 : vector<256x4096xf32>
    %jit3A_214 = arith.constant 0x7F800000 : f32
    %broadcast_in_dim3A_215 = vector.broadcast %jit3A_214 : f32 to vector<256x4096xf32>
    %select_n3A_216 = arith.select %eq3A_213, %broadcast_in_dim3A_215, %select_n3A_202 : vector<256x4096xi1>, vector<256x4096xf32>
    %reduce_min3A_217 = arith.constant dense<0x7F800000> : vector<256xf32>
    %reduce_min3A_218 = vector.multi_reduction <minimumf>, %select_n3A_216, %reduce_min3A_217 [1] : vector<256x4096xf32> to vector<256xf32>
    %broadcast_in_dim3A_219 = vector.shape_cast %reduce_min3A_218 : vector<256xf32> to vector<256x1xf32>
    %bitcast_convert_type3A_220 = tpu.bitcast %broadcast_in_dim3A_219 : vector<256x1xf32> -> vector<256x1xi32>
    %and3A_221 = arith.constant 4095 : i32
    %and3A_222 = vector.broadcast %and3A_221 : i32 to vector<256x1xi32>
    %and3A_223 = arith.andi %bitcast_convert_type3A_220, %and3A_222 : vector<256x1xi32>
    %add3A_224 = vector.broadcast %mul3A_39 : i32 to vector<256x1xi32>
    %add3A_225 = arith.addi %and3A_223, %add3A_224 : vector<256x1xi32>
    %eq3A_226 = vector.broadcast %broadcast_in_dim3A_219 : vector<256x1xf32> to vector<256x4096xf32>
    %eq3A_227 = arith.cmpf oeq, %select_n3A_216, %eq3A_226 : vector<256x4096xf32>
    %jit3A_228 = arith.constant 0x7F800000 : f32
    %broadcast_in_dim3A_229 = vector.broadcast %jit3A_228 : f32 to vector<256x4096xf32>
    %select_n3A_230 = arith.select %eq3A_227, %broadcast_in_dim3A_229, %select_n3A_216 : vector<256x4096xi1>, vector<256x4096xf32>
    %reduce_min3A_231 = arith.constant dense<0x7F800000> : vector<256xf32>
    %reduce_min3A_232 = vector.multi_reduction <minimumf>, %select_n3A_230, %reduce_min3A_231 [1] : vector<256x4096xf32> to vector<256xf32>
    %broadcast_in_dim3A_233 = vector.shape_cast %reduce_min3A_232 : vector<256xf32> to vector<256x1xf32>
    %bitcast_convert_type3A_234 = tpu.bitcast %broadcast_in_dim3A_233 : vector<256x1xf32> -> vector<256x1xi32>
    %and3A_235 = arith.constant 4095 : i32
    %and3A_236 = vector.broadcast %and3A_235 : i32 to vector<256x1xi32>
    %and3A_237 = arith.andi %bitcast_convert_type3A_234, %and3A_236 : vector<256x1xi32>
    %add3A_238 = vector.broadcast %mul3A_39 : i32 to vector<256x1xi32>
    %add3A_239 = arith.addi %and3A_237, %add3A_238 : vector<256x1xi32>
    %eq3A_240 = vector.broadcast %broadcast_in_dim3A_233 : vector<256x1xf32> to vector<256x4096xf32>
    %eq3A_241 = arith.cmpf oeq, %select_n3A_230, %eq3A_240 : vector<256x4096xf32>
    %jit3A_242 = arith.constant 0x7F800000 : f32
    %broadcast_in_dim3A_243 = vector.broadcast %jit3A_242 : f32 to vector<256x4096xf32>
    %select_n3A_244 = arith.select %eq3A_241, %broadcast_in_dim3A_243, %select_n3A_230 : vector<256x4096xi1>, vector<256x4096xf32>
    %reduce_min3A_245 = arith.constant dense<0x7F800000> : vector<256xf32>
    %reduce_min3A_246 = vector.multi_reduction <minimumf>, %select_n3A_244, %reduce_min3A_245 [1] : vector<256x4096xf32> to vector<256xf32>
    %broadcast_in_dim3A_247 = vector.shape_cast %reduce_min3A_246 : vector<256xf32> to vector<256x1xf32>
    %bitcast_convert_type3A_248 = tpu.bitcast %broadcast_in_dim3A_247 : vector<256x1xf32> -> vector<256x1xi32>
    %and3A_249 = arith.constant 4095 : i32
    %and3A_250 = vector.broadcast %and3A_249 : i32 to vector<256x1xi32>
    %and3A_251 = arith.andi %bitcast_convert_type3A_248, %and3A_250 : vector<256x1xi32>
    %add3A_252 = vector.broadcast %mul3A_39 : i32 to vector<256x1xi32>
    %add3A_253 = arith.addi %and3A_251, %add3A_252 : vector<256x1xi32>
    %eq3A_254 = vector.broadcast %broadcast_in_dim3A_247 : vector<256x1xf32> to vector<256x4096xf32>
    %eq3A_255 = arith.cmpf oeq, %select_n3A_244, %eq3A_254 : vector<256x4096xf32>
    %jit3A_256 = arith.constant 0x7F800000 : f32
    %broadcast_in_dim3A_257 = vector.broadcast %jit3A_256 : f32 to vector<256x4096xf32>
    %select_n3A_258 = arith.select %eq3A_255, %broadcast_in_dim3A_257, %select_n3A_244 : vector<256x4096xi1>, vector<256x4096xf32>
    %reduce_min3A_259 = arith.constant dense<0x7F800000> : vector<256xf32>
    %reduce_min3A_260 = vector.multi_reduction <minimumf>, %select_n3A_258, %reduce_min3A_259 [1] : vector<256x4096xf32> to vector<256xf32>
    %broadcast_in_dim3A_261 = vector.shape_cast %reduce_min3A_260 : vector<256xf32> to vector<256x1xf32>
    %bitcast_convert_type3A_262 = tpu.bitcast %broadcast_in_dim3A_261 : vector<256x1xf32> -> vector<256x1xi32>
    %and3A_263 = arith.constant 4095 : i32
    %and3A_264 = vector.broadcast %and3A_263 : i32 to vector<256x1xi32>
    %and3A_265 = arith.andi %bitcast_convert_type3A_262, %and3A_264 : vector<256x1xi32>
    %add3A_266 = vector.broadcast %mul3A_39 : i32 to vector<256x1xi32>
    %add3A_267 = arith.addi %and3A_265, %add3A_266 : vector<256x1xi32>
    %eq3A_268 = vector.broadcast %broadcast_in_dim3A_261 : vector<256x1xf32> to vector<256x4096xf32>
    %eq3A_269 = arith.cmpf oeq, %select_n3A_258, %eq3A_268 : vector<256x4096xf32>
    %jit3A_270 = arith.constant 0x7F800000 : f32
    %broadcast_in_dim3A_271 = vector.broadcast %jit3A_270 : f32 to vector<256x4096xf32>
    %select_n3A_272 = arith.select %eq3A_269, %broadcast_in_dim3A_271, %select_n3A_258 : vector<256x4096xi1>, vector<256x4096xf32>
    %reduce_min3A_273 = arith.constant dense<0x7F800000> : vector<256xf32>
    %reduce_min3A_274 = vector.multi_reduction <minimumf>, %select_n3A_272, %reduce_min3A_273 [1] : vector<256x4096xf32> to vector<256xf32>
    %broadcast_in_dim3A_275 = vector.shape_cast %reduce_min3A_274 : vector<256xf32> to vector<256x1xf32>
    %bitcast_convert_type3A_276 = tpu.bitcast %broadcast_in_dim3A_275 : vector<256x1xf32> -> vector<256x1xi32>
    %and3A_277 = arith.constant 4095 : i32
    %and3A_278 = vector.broadcast %and3A_277 : i32 to vector<256x1xi32>
    %and3A_279 = arith.andi %bitcast_convert_type3A_276, %and3A_278 : vector<256x1xi32>
    %add3A_280 = vector.broadcast %mul3A_39 : i32 to vector<256x1xi32>
    %add3A_281 = arith.addi %and3A_279, %add3A_280 : vector<256x1xi32>
    %eq3A_282 = vector.broadcast %broadcast_in_dim3A_275 : vector<256x1xf32> to vector<256x4096xf32>
    %eq3A_283 = arith.cmpf oeq, %select_n3A_272, %eq3A_282 : vector<256x4096xf32>
    %jit3A_284 = arith.constant 0x7F800000 : f32
    %broadcast_in_dim3A_285 = vector.broadcast %jit3A_284 : f32 to vector<256x4096xf32>
    %select_n3A_286 = arith.select %eq3A_283, %broadcast_in_dim3A_285, %select_n3A_272 : vector<256x4096xi1>, vector<256x4096xf32>
    %reduce_min3A_287 = arith.constant dense<0x7F800000> : vector<256xf32>
    %reduce_min3A_288 = vector.multi_reduction <minimumf>, %select_n3A_286, %reduce_min3A_287 [1] : vector<256x4096xf32> to vector<256xf32>
    %broadcast_in_dim3A_289 = vector.shape_cast %reduce_min3A_288 : vector<256xf32> to vector<256x1xf32>
    %bitcast_convert_type3A_290 = tpu.bitcast %broadcast_in_dim3A_289 : vector<256x1xf32> -> vector<256x1xi32>
    %and3A_291 = arith.constant 4095 : i32
    %and3A_292 = vector.broadcast %and3A_291 : i32 to vector<256x1xi32>
    %and3A_293 = arith.andi %bitcast_convert_type3A_290, %and3A_292 : vector<256x1xi32>
    %add3A_294 = vector.broadcast %mul3A_39 : i32 to vector<256x1xi32>
    %add3A_295 = arith.addi %and3A_293, %add3A_294 : vector<256x1xi32>
    %eq3A_296 = vector.broadcast %broadcast_in_dim3A_289 : vector<256x1xf32> to vector<256x4096xf32>
    %eq3A_297 = arith.cmpf oeq, %select_n3A_286, %eq3A_296 : vector<256x4096xf32>
    %jit3A_298 = arith.constant 0x7F800000 : f32
    %broadcast_in_dim3A_299 = vector.broadcast %jit3A_298 : f32 to vector<256x4096xf32>
    %select_n3A_300 = arith.select %eq3A_297, %broadcast_in_dim3A_299, %select_n3A_286 : vector<256x4096xi1>, vector<256x4096xf32>
    %reduce_min3A_301 = arith.constant dense<0x7F800000> : vector<256xf32>
    %reduce_min3A_302 = vector.multi_reduction <minimumf>, %select_n3A_300, %reduce_min3A_301 [1] : vector<256x4096xf32> to vector<256xf32>
    %broadcast_in_dim3A_303 = vector.shape_cast %reduce_min3A_302 : vector<256xf32> to vector<256x1xf32>
    %bitcast_convert_type3A_304 = tpu.bitcast %broadcast_in_dim3A_303 : vector<256x1xf32> -> vector<256x1xi32>
    %and3A_305 = arith.constant 4095 : i32
    %and3A_306 = vector.broadcast %and3A_305 : i32 to vector<256x1xi32>
    %and3A_307 = arith.andi %bitcast_convert_type3A_304, %and3A_306 : vector<256x1xi32>
    %add3A_308 = vector.broadcast %mul3A_39 : i32 to vector<256x1xi32>
    %add3A_309 = arith.addi %and3A_307, %add3A_308 : vector<256x1xi32>
    %concatenate3A = tpu.concatenate %add3A_46, %add3A_57, %add3A_71, %add3A_85, %add3A_99, %add3A_113, %add3A_127, %add3A_141, %add3A_155, %add3A_169, %add3A_183, %add3A_197, %add3A_211, %add3A_225, %add3A_239, %add3A_253, %add3A_267, %add3A_281, %add3A_295, %add3A_309 in 1 : vector<256x1xi32>, vector<256x1xi32>, vector<256x1xi32>, vector<256x1xi32>, vector<256x1xi32>, vector<256x1xi32>, vector<256x1xi32>, vector<256x1xi32>, vector<256x1xi32>, vector<256x1xi32>, vector<256x1xi32>, vector<256x1xi32>, vector<256x1xi32>, vector<256x1xi32>, vector<256x1xi32>, vector<256x1xi32>, vector<256x1xi32>, vector<256x1xi32>, vector<256x1xi32>, vector<256x1xi32> -> vector<256x20xi32>
    %swap3A = arith.constant 0 : index
    %swap3A_310 = arith.constant 0 : index
    %swap3A_311 = arith.constant 0 : index
    %swap3A_312 = vector.load %arg4[%swap3A, %swap3A_310, %swap3A_311] : memref<1x256x20xi32, #tpu.memory_space<vmem>>, vector<1x256x20xi32>
    %swap3A_313 = vector.shape_cast %swap3A_312 : vector<1x256x20xi32> to vector<256x20xi32>
    %swap3A_314 = vector.shape_cast %concatenate3A : vector<256x20xi32> to vector<1x256x20xi32>
    tpu.vector_store %arg4[%swap3A, %swap3A_310, %swap3A_311], %swap3A_314 {strides = array<i32>} : memref<1x256x20xi32, #tpu.memory_space<vmem>>, vector<1x256x20xi32>,
    return
  }
  func.func @transform_0(%arg0: i32, %arg1: i32) -> (i32, i32, i32) {
    %c0_i32 = arith.constant 0 : i32
    %c0_i32_0 = arith.constant 0 : i32
    return %arg0, %arg1, %c0_i32 : i32, i32, i32
  }
  func.func @transform_1(%arg0: i32, %arg1: i32) -> (i32, i32, i32) {
    %c0_i32 = arith.constant 0 : i32
    %c0_i32_0 = arith.constant 0 : i32
    %c0_i32_1 = arith.constant 0 : i32
    return %arg0, %c0_i32, %c0_i32_0 : i32, i32, i32
  }
  func.func @transform_2(%arg0: i32, %arg1: i32) -> (i32, i32, i32) {
    %c0_i32 = arith.constant 0 : i32
    %c0_i32_0 = arith.constant 0 : i32
    return %arg0, %arg1, %c0_i32 : i32, i32, i32
  }
}

module attributes {stable_mosaic.version = 14 : i64} {
  func.func @_cond_kernel(%arg0: memref<2x1xf32, #tpu.memory_space<vmem>>, %arg1: memref<2x16xf32, #tpu.memory_space<vmem>>, %arg2: memref<48x192xf32, #tpu.memory_space<vmem>>, %arg3: memref<1x192xf32, #tpu.memory_space<vmem>>, %arg4: memref<192x192xf32, #tpu.memory_space<vmem>>, %arg5: memref<1x192xf32, #tpu.memory_space<vmem>>, %arg6: memref<192x48xf32, #tpu.memory_space<vmem>>, %arg7: memref<1x48xf32, #tpu.memory_space<vmem>>, %arg8: memref<2x48xf32, #tpu.memory_space<vmem>>) attributes {dimension_semantics = [], scalar_prefetch = 0 : i64, scratch_operands = 0 : i64, tpu.core_type = #tpu.core_type<tc>} {
    %get3A = arith.constant 0 : index
    %get3A_0 = arith.constant 0 : index
    %get3A_1 = vector.load %arg0[%get3A, %get3A_0] : memref<2x1xf32, #tpu.memory_space<vmem>>, vector<2x1xf32>
    %iota3A = tpu.iota {dimensions = array<i32: 1>} : vector<1x16xi32>
    %convert_element_type3A = arith.sitofp %iota3A : vector<1x16xi32> to vector<1x16xf32>
    %log3A = arith.constant 1.000000e+04 : f32
    %log3A_2 = math.log %log3A : f32
    %neg3A = arith.constant 0.000000e+00 : f32
    %neg3A_3 = arith.subf %neg3A, %log3A_2 : f32
    %mul3A = vector.broadcast %neg3A_3 : f32 to vector<1x16xf32>
    %mul3A_4 = arith.mulf %mul3A, %convert_element_type3A : vector<1x16xf32>
    %div3A = arith.constant 1.500000e+01 : f32
    %div3A_5 = vector.broadcast %div3A : f32 to vector<1x16xf32>
    %div3A_6 = arith.divf %mul3A_4, %div3A_5 : vector<1x16xf32>
    %exp3A = math.exp %div3A_6 : vector<1x16xf32>
    %mul3A_7 = vector.broadcast %get3A_1 : vector<2x1xf32> to vector<2x16xf32>
    %mul3A_8 = vector.broadcast %exp3A : vector<1x16xf32> to vector<2x16xf32>
    %mul3A_9 = arith.mulf %mul3A_7, %mul3A_8 : vector<2x16xf32>
    %sin3A = math.sin %mul3A_9 : vector<2x16xf32>
    %cos3A = math.cos %mul3A_9 : vector<2x16xf32>
    %concatenate3A = tpu.concatenate %sin3A, %cos3A in 1 : vector<2x16xf32>, vector<2x16xf32> -> vector<2x32xf32>
    %get3A_10 = arith.constant 0 : index
    %get3A_11 = arith.constant 0 : index
    %get3A_12 = vector.load %arg1[%get3A_10, %get3A_11] : memref<2x16xf32, #tpu.memory_space<vmem>>, vector<2x16xf32>
    %concatenate3A_13 = tpu.concatenate %concatenate3A, %get3A_12 in 1 : vector<2x32xf32>, vector<2x16xf32> -> vector<2x48xf32>
    %get3A_14 = arith.constant 0 : index
    %get3A_15 = arith.constant 0 : index
    %get3A_16 = vector.load %arg2[%get3A_14, %get3A_15] : memref<48x192xf32, #tpu.memory_space<vmem>>, vector<48x192xf32>
    %dot_general3A = arith.constant dense<0.000000e+00> : vector<2x192xf32>
    %dot_general3A_17 = tpu.matmul %concatenate3A_13, %get3A_16, %dot_general3A {dimension_numbers = #tpu.dot_dimension_numbers<[1], [0], [0], [1], [0, 0, 1, 1], [], []>, transpose_lhs_hint = false} : vector<2x48xf32>, vector<48x192xf32>, vector<2x192xf32> -> vector<2x192xf32>
    %get3A_18 = arith.constant 0 : index
    %get3A_19 = arith.constant 0 : index
    %get3A_20 = vector.load %arg3[%get3A_18, %get3A_19] : memref<1x192xf32, #tpu.memory_space<vmem>>, vector<1x192xf32>
    %add3A = vector.broadcast %get3A_20 : vector<1x192xf32> to vector<2x192xf32>
    %add3A_21 = arith.addf %dot_general3A_17, %add3A : vector<2x192xf32>
    %integer_pow3A = arith.mulf %add3A_21, %add3A_21 : vector<2x192xf32>
    %integer_pow3A_22 = arith.mulf %add3A_21, %integer_pow3A : vector<2x192xf32>
    %mul3A_23 = arith.constant 4.471500e-02 : f32
    %mul3A_24 = vector.broadcast %mul3A_23 : f32 to vector<2x192xf32>
    %mul3A_25 = arith.mulf %mul3A_24, %integer_pow3A_22 : vector<2x192xf32>
    %add3A_26 = arith.addf %add3A_21, %mul3A_25 : vector<2x192xf32>
    %mul3A_27 = arith.constant 0.797884583 : f32
    %mul3A_28 = vector.broadcast %mul3A_27 : f32 to vector<2x192xf32>
    %mul3A_29 = arith.mulf %mul3A_28, %add3A_26 : vector<2x192xf32>
    %tanh3A = math.tanh %mul3A_29 : vector<2x192xf32>
    %add3A_30 = arith.constant 1.000000e+00 : f32
    %add3A_31 = vector.broadcast %add3A_30 : f32 to vector<2x192xf32>
    %add3A_32 = arith.addf %add3A_31, %tanh3A : vector<2x192xf32>
    %mul3A_33 = arith.constant 5.000000e-01 : f32
    %mul3A_34 = vector.broadcast %mul3A_33 : f32 to vector<2x192xf32>
    %mul3A_35 = arith.mulf %mul3A_34, %add3A_32 : vector<2x192xf32>
    %mul3A_36 = arith.mulf %add3A_21, %mul3A_35 : vector<2x192xf32>
    %get3A_37 = arith.constant 0 : index
    %get3A_38 = arith.constant 0 : index
    %get3A_39 = vector.load %arg4[%get3A_37, %get3A_38] : memref<192x192xf32, #tpu.memory_space<vmem>>, vector<192x192xf32>
    %dot_general3A_40 = arith.constant dense<0.000000e+00> : vector<2x192xf32>
    %dot_general3A_41 = tpu.matmul %mul3A_36, %get3A_39, %dot_general3A_40 {dimension_numbers = #tpu.dot_dimension_numbers<[1], [0], [0], [1], [0, 0, 1, 1], [], []>, transpose_lhs_hint = false} : vector<2x192xf32>, vector<192x192xf32>, vector<2x192xf32> -> vector<2x192xf32>
    %get3A_42 = arith.constant 0 : index
    %get3A_43 = arith.constant 0 : index
    %get3A_44 = vector.load %arg5[%get3A_42, %get3A_43] : memref<1x192xf32, #tpu.memory_space<vmem>>, vector<1x192xf32>
    %add3A_45 = vector.broadcast %get3A_44 : vector<1x192xf32> to vector<2x192xf32>
    %add3A_46 = arith.addf %dot_general3A_41, %add3A_45 : vector<2x192xf32>
    %integer_pow3A_47 = arith.mulf %add3A_46, %add3A_46 : vector<2x192xf32>
    %integer_pow3A_48 = arith.mulf %add3A_46, %integer_pow3A_47 : vector<2x192xf32>
    %mul3A_49 = arith.constant 4.471500e-02 : f32
    %mul3A_50 = vector.broadcast %mul3A_49 : f32 to vector<2x192xf32>
    %mul3A_51 = arith.mulf %mul3A_50, %integer_pow3A_48 : vector<2x192xf32>
    %add3A_52 = arith.addf %add3A_46, %mul3A_51 : vector<2x192xf32>
    %mul3A_53 = arith.constant 0.797884583 : f32
    %mul3A_54 = vector.broadcast %mul3A_53 : f32 to vector<2x192xf32>
    %mul3A_55 = arith.mulf %mul3A_54, %add3A_52 : vector<2x192xf32>
    %tanh3A_56 = math.tanh %mul3A_55 : vector<2x192xf32>
    %add3A_57 = arith.constant 1.000000e+00 : f32
    %add3A_58 = vector.broadcast %add3A_57 : f32 to vector<2x192xf32>
    %add3A_59 = arith.addf %add3A_58, %tanh3A_56 : vector<2x192xf32>
    %mul3A_60 = arith.constant 5.000000e-01 : f32
    %mul3A_61 = vector.broadcast %mul3A_60 : f32 to vector<2x192xf32>
    %mul3A_62 = arith.mulf %mul3A_61, %add3A_59 : vector<2x192xf32>
    %mul3A_63 = arith.mulf %add3A_46, %mul3A_62 : vector<2x192xf32>
    %get3A_64 = arith.constant 0 : index
    %get3A_65 = arith.constant 0 : index
    %get3A_66 = vector.load %arg6[%get3A_64, %get3A_65] : memref<192x48xf32, #tpu.memory_space<vmem>>, vector<192x48xf32>
    %dot_general3A_67 = arith.constant dense<0.000000e+00> : vector<2x48xf32>
    %dot_general3A_68 = tpu.matmul %mul3A_63, %get3A_66, %dot_general3A_67 {dimension_numbers = #tpu.dot_dimension_numbers<[1], [0], [0], [1], [0, 0, 1, 1], [], []>, transpose_lhs_hint = false} : vector<2x192xf32>, vector<192x48xf32>, vector<2x48xf32> -> vector<2x48xf32>
    %get3A_69 = arith.constant 0 : index
    %get3A_70 = arith.constant 0 : index
    %get3A_71 = vector.load %arg7[%get3A_69, %get3A_70] : memref<1x48xf32, #tpu.memory_space<vmem>>, vector<1x48xf32>
    %add3A_72 = vector.broadcast %get3A_71 : vector<1x48xf32> to vector<2x48xf32>
    %add3A_73 = arith.addf %dot_general3A_68, %add3A_72 : vector<2x48xf32>
    %swap3A = arith.constant 0 : index
    %swap3A_74 = arith.constant 0 : index
    %swap3A_75 = vector.load %arg8[%swap3A, %swap3A_74] : memref<2x48xf32, #tpu.memory_space<vmem>>, vector<2x48xf32>
    tpu.vector_store %arg8[%swap3A, %swap3A_74], %add3A_73 {strides = array<i32>} : memref<2x48xf32, #tpu.memory_space<vmem>>, vector<2x48xf32>,
    return
  }
}

module attributes {stable_mosaic.version = 14 : i64} {
  func.func @_table_kernel(%arg0: i32, %arg1: i32, %arg2: memref<1x256x54xf32, #tpu.memory_space<vmem>>, %arg3: memref<1x1x48xf32, #tpu.memory_space<vmem>>, %arg4: memref<48x32xf32, #tpu.memory_space<vmem>>, %arg5: memref<48x32xf32, #tpu.memory_space<vmem>>, %arg6: memref<48x48xf32, #tpu.memory_space<vmem>>, %arg7: memref<48x3xf32, #tpu.memory_space<vmem>>, %arg8: memref<1x3xf32, #tpu.memory_space<vmem>>, %arg9: memref<1x256x32xf32, #tpu.memory_space<vmem>>, %arg10: memref<256x128xf32, #tpu.memory_space<vmem>>) attributes {dimension_semantics = [#tpu.dimension_semantics<arbitrary>, #tpu.dimension_semantics<arbitrary>], iteration_bounds = array<i64: 2, 16>, scalar_prefetch = 0 : i64, scratch_operands = 0 : i64, tpu.core_type = #tpu.core_type<tc>, window_params = [{transform_indices = @transform_0, window_bounds = array<i64: 1, 256, 54>}, {transform_indices = @transform_1, window_bounds = array<i64: 1, 1, 48>}, {pipeline_mode = #tpu.pipeline_mode<synchronous>, transform_indices = @transform_2, window_bounds = array<i64: 48, 32>}, {pipeline_mode = #tpu.pipeline_mode<synchronous>, transform_indices = @transform_3, window_bounds = array<i64: 48, 32>}, {pipeline_mode = #tpu.pipeline_mode<synchronous>, transform_indices = @transform_4, window_bounds = array<i64: 48, 48>}, {pipeline_mode = #tpu.pipeline_mode<synchronous>, transform_indices = @transform_5, window_bounds = array<i64: 48, 3>}, {pipeline_mode = #tpu.pipeline_mode<synchronous>, transform_indices = @transform_6, window_bounds = array<i64: 1, 3>}, {transform_indices = @transform_7, window_bounds = array<i64: 1, 256, 32>}, {transform_indices = @transform_8, window_bounds = array<i64: 256, 128>}]} {
    %get3A = arith.constant 0 : index
    %get3A_0 = arith.constant 0 : index
    %get3A_1 = arith.constant 0 : index
    %get3A_2 = vector.load %arg2[%get3A, %get3A_0, %get3A_1] : memref<1x256x54xf32, #tpu.memory_space<vmem>>, vector<1x256x54xf32>
    %get3A_3 = vector.shape_cast %get3A_2 : vector<1x256x54xf32> to vector<256x54xf32>
    %slice3A = vector.extract_strided_slice %get3A_3 {offsets = [0, 6], sizes = [256, 48], strides = [1, 1]} : vector<256x54xf32> to vector<256x48xf32>
    %get3A_4 = arith.constant 0 : index
    %get3A_5 = arith.constant 0 : index
    %get3A_6 = arith.constant 0 : index
    %get3A_7 = vector.load %arg3[%get3A_4, %get3A_5, %get3A_6] : memref<1x1x48xf32, #tpu.memory_space<vmem>>, vector<1x1x48xf32>
    %get3A_8 = vector.shape_cast %get3A_7 : vector<1x1x48xf32> to vector<1x48xf32>
    %add3A = vector.broadcast %get3A_8 : vector<1x48xf32> to vector<256x48xf32>
    %add3A_9 = arith.addf %slice3A, %add3A : vector<256x48xf32>
    %get3A_10 = arith.constant 0 : index
    %get3A_11 = arith.constant 0 : index
    %get3A_12 = vector.load %arg4[%get3A_10, %get3A_11] : memref<48x32xf32, #tpu.memory_space<vmem>>, vector<48x32xf32>
    %dot_general3A = arith.constant dense<0.000000e+00> : vector<256x32xf32>
    %dot_general3A_13 = tpu.matmul %add3A_9, %get3A_12, %dot_general3A {dimension_numbers = #tpu.dot_dimension_numbers<[1], [0], [0], [1], [0, 0, 1, 1], [], []>, transpose_lhs_hint = false} : vector<256x48xf32>, vector<48x32xf32>, vector<256x32xf32> -> vector<256x32xf32>
    %swap3A = arith.constant 0 : index
    %swap3A_14 = arith.constant 0 : index
    %swap3A_15 = arith.constant 0 : index
    %swap3A_16 = vector.load %arg9[%swap3A, %swap3A_14, %swap3A_15] : memref<1x256x32xf32, #tpu.memory_space<vmem>>, vector<1x256x32xf32>
    %swap3A_17 = vector.shape_cast %swap3A_16 : vector<1x256x32xf32> to vector<256x32xf32>
    %swap3A_18 = vector.shape_cast %dot_general3A_13 : vector<256x32xf32> to vector<1x256x32xf32>
    tpu.vector_store %arg9[%swap3A, %swap3A_14, %swap3A_15], %swap3A_18 {strides = array<i32>} : memref<1x256x32xf32, #tpu.memory_space<vmem>>, vector<1x256x32xf32>,
    %get3A_19 = arith.constant 0 : index
    %get3A_20 = arith.constant 0 : index
    %get3A_21 = vector.load %arg5[%get3A_19, %get3A_20] : memref<48x32xf32, #tpu.memory_space<vmem>>, vector<48x32xf32>
    %dot_general3A_22 = arith.constant dense<0.000000e+00> : vector<256x32xf32>
    %dot_general3A_23 = tpu.matmul %add3A_9, %get3A_21, %dot_general3A_22 {dimension_numbers = #tpu.dot_dimension_numbers<[1], [0], [0], [1], [0, 0, 1, 1], [], []>, transpose_lhs_hint = false} : vector<256x48xf32>, vector<48x32xf32>, vector<256x32xf32> -> vector<256x32xf32>
    %get3A_24 = arith.constant 0 : index
    %get3A_25 = arith.constant 0 : index
    %get3A_26 = vector.load %arg6[%get3A_24, %get3A_25] : memref<48x48xf32, #tpu.memory_space<vmem>>, vector<48x48xf32>
    %dot_general3A_27 = arith.constant dense<0.000000e+00> : vector<256x48xf32>
    %dot_general3A_28 = tpu.matmul %add3A_9, %get3A_26, %dot_general3A_27 {dimension_numbers = #tpu.dot_dimension_numbers<[1], [0], [0], [1], [0, 0, 1, 1], [], []>, transpose_lhs_hint = false} : vector<256x48xf32>, vector<48x48xf32>, vector<256x48xf32> -> vector<256x48xf32>
    %get3A_29 = arith.constant 0 : index
    %get3A_30 = arith.constant 0 : index
    %get3A_31 = vector.load %arg7[%get3A_29, %get3A_30] : memref<48x3xf32, #tpu.memory_space<vmem>>, vector<48x3xf32>
    %dot_general3A_32 = arith.constant dense<0.000000e+00> : vector<256x3xf32>
    %dot_general3A_33 = tpu.matmul %add3A_9, %get3A_31, %dot_general3A_32 {dimension_numbers = #tpu.dot_dimension_numbers<[1], [0], [0], [1], [0, 0, 1, 1], [], []>, transpose_lhs_hint = false} : vector<256x48xf32>, vector<48x3xf32>, vector<256x3xf32> -> vector<256x3xf32>
    %get3A_34 = arith.constant 0 : index
    %get3A_35 = arith.constant 0 : index
    %get3A_36 = vector.load %arg8[%get3A_34, %get3A_35] : memref<1x3xf32, #tpu.memory_space<vmem>>, vector<1x3xf32>
    %add3A_37 = vector.broadcast %get3A_36 : vector<1x3xf32> to vector<256x3xf32>
    %add3A_38 = arith.addf %dot_general3A_33, %add3A_37 : vector<256x3xf32>
    %slice3A_39 = vector.extract_strided_slice %get3A_3 {offsets = [0, 0], sizes = [256, 3], strides = [1, 1]} : vector<256x54xf32> to vector<256x3xf32>
    %slice3A_40 = vector.extract_strided_slice %get3A_3 {offsets = [0, 3], sizes = [256, 3], strides = [1, 1]} : vector<256x54xf32> to vector<256x3xf32>
    %broadcast_in_dim3A = arith.constant 0.000000e+00 : f32
    %broadcast_in_dim3A_41 = vector.broadcast %broadcast_in_dim3A : f32 to vector<256x39xf32>
    %concatenate3A = tpu.concatenate %dot_general3A_23, %dot_general3A_28, %add3A_38, %slice3A_39, %slice3A_40, %broadcast_in_dim3A_41 in 1 : vector<256x32xf32>, vector<256x48xf32>, vector<256x3xf32>, vector<256x3xf32>, vector<256x3xf32>, vector<256x39xf32> -> vector<256x128xf32>
    %swap3A_42 = arith.constant 0 : index
    %swap3A_43 = arith.constant 0 : index
    %swap3A_44 = vector.load %arg10[%swap3A_42, %swap3A_43] : memref<256x128xf32, #tpu.memory_space<vmem>>, vector<256x128xf32>
    tpu.vector_store %arg10[%swap3A_42, %swap3A_43], %concatenate3A {strides = array<i32>} : memref<256x128xf32, #tpu.memory_space<vmem>>, vector<256x128xf32>,
    return
  }
  func.func @transform_0(%arg0: i32, %arg1: i32) -> (i32, i32, i32) {
    %c0_i32 = arith.constant 0 : i32
    %c0_i32_0 = arith.constant 0 : i32
    return %arg0, %arg1, %c0_i32 : i32, i32, i32
  }
  func.func @transform_1(%arg0: i32, %arg1: i32) -> (i32, i32, i32) {
    %c0_i32 = arith.constant 0 : i32
    %c0_i32_0 = arith.constant 0 : i32
    %c0_i32_1 = arith.constant 0 : i32
    return %arg0, %c0_i32, %c0_i32_0 : i32, i32, i32
  }
  func.func @transform_2(%arg0: i32, %arg1: i32) -> (i32, i32) {
    %c0_i32 = arith.constant 0 : i32
    %c0_i32_0 = arith.constant 0 : i32
    %c0_i32_1 = arith.constant 0 : i32
    return %c0_i32, %c0_i32_0 : i32, i32
  }
  func.func @transform_3(%arg0: i32, %arg1: i32) -> (i32, i32) {
    %c0_i32 = arith.constant 0 : i32
    %c0_i32_0 = arith.constant 0 : i32
    %c0_i32_1 = arith.constant 0 : i32
    return %c0_i32, %c0_i32_0 : i32, i32
  }
  func.func @transform_4(%arg0: i32, %arg1: i32) -> (i32, i32) {
    %c0_i32 = arith.constant 0 : i32
    %c0_i32_0 = arith.constant 0 : i32
    %c0_i32_1 = arith.constant 0 : i32
    return %c0_i32, %c0_i32_0 : i32, i32
  }
  func.func @transform_5(%arg0: i32, %arg1: i32) -> (i32, i32) {
    %c0_i32 = arith.constant 0 : i32
    %c0_i32_0 = arith.constant 0 : i32
    %c0_i32_1 = arith.constant 0 : i32
    return %c0_i32, %c0_i32_0 : i32, i32
  }
  func.func @transform_6(%arg0: i32, %arg1: i32) -> (i32, i32) {
    %c0_i32 = arith.constant 0 : i32
    %c0_i32_0 = arith.constant 0 : i32
    %c0_i32_1 = arith.constant 0 : i32
    return %c0_i32, %c0_i32_0 : i32, i32
  }
  func.func @transform_7(%arg0: i32, %arg1: i32) -> (i32, i32, i32) {
    %c0_i32 = arith.constant 0 : i32
    %c0_i32_0 = arith.constant 0 : i32
    return %arg0, %arg1, %c0_i32 : i32, i32, i32
  }
  func.func @transform_8(%arg0: i32, %arg1: i32) -> (i32, i32) {
    %mul3A = arith.constant 16 : i32
    %mul3A_0 = arith.muli %arg0, %mul3A : i32
    %add3A = arith.addi %mul3A_0, %arg1 : i32
    %c0_i32 = arith.constant 0 : i32
    %c0_i32_1 = arith.constant 0 : i32
    return %add3A, %c0_i32 : i32, i32
  }
}

module attributes {stable_mosaic.version = 14 : i64} {
  func.func @_mp_kernel(%arg0: i32, %arg1: i32, %arg2: memref<1x256x54xf32, #tpu.memory_space<vmem>>, %arg3: memref<1x256x32xf32, #tpu.memory_space<vmem>>, %arg4: memref<5120x128xf32, #tpu.memory_space<vmem>>, %arg5: memref<48x48xf32, #tpu.memory_space<vmem>>, %arg6: memref<1x48xf32, #tpu.memory_space<vmem>>, %arg7: memref<1x1xf32, #tpu.memory_space<vmem>>, %arg8: memref<1x256x54xf32, #tpu.memory_space<vmem>>) attributes {dimension_semantics = [#tpu.dimension_semantics<arbitrary>, #tpu.dimension_semantics<arbitrary>], iteration_bounds = array<i64: 2, 16>, scalar_prefetch = 0 : i64, scratch_operands = 0 : i64, tpu.core_type = #tpu.core_type<tc>, window_params = [{transform_indices = @transform_0, window_bounds = array<i64: 1, 256, 54>}, {transform_indices = @transform_1, window_bounds = array<i64: 1, 256, 32>}, {transform_indices = @transform_2, window_bounds = array<i64: 5120, 128>}, {pipeline_mode = #tpu.pipeline_mode<synchronous>, transform_indices = @transform_3, window_bounds = array<i64: 48, 48>}, {pipeline_mode = #tpu.pipeline_mode<synchronous>, transform_indices = @transform_4, window_bounds = array<i64: 1, 48>}, {pipeline_mode = #tpu.pipeline_mode<synchronous>, transform_indices = @transform_5, window_bounds = array<i64: 1, 1>}, {transform_indices = @transform_6, window_bounds = array<i64: 1, 256, 54>}]} {
    %get3A = arith.constant 0 : index
    %get3A_0 = arith.constant 0 : index
    %get3A_1 = arith.constant 0 : index
    %get3A_2 = vector.load %arg2[%get3A, %get3A_0, %get3A_1] : memref<1x256x54xf32, #tpu.memory_space<vmem>>, vector<1x256x54xf32>
    %get3A_3 = vector.shape_cast %get3A_2 : vector<1x256x54xf32> to vector<256x54xf32>
    %get3A_4 = arith.constant 0 : index
    %get3A_5 = arith.constant 0 : index
    %get3A_6 = arith.constant 0 : index
    %get3A_7 = vector.load %arg3[%get3A_4, %get3A_5, %get3A_6] : memref<1x256x32xf32, #tpu.memory_space<vmem>>, vector<1x256x32xf32>
    %get3A_8 = vector.shape_cast %get3A_7 : vector<1x256x32xf32> to vector<256x32xf32>
    %get3A_9 = arith.constant 0 : index
    %get3A_10 = arith.constant 0 : index
    %get3A_11 = vector.load %arg4[%get3A_9, %get3A_10] : memref<5120x128xf32, #tpu.memory_space<vmem>>, vector<5120x128xf32>
    %reshape3A = vector.shape_cast %get3A_11 : vector<5120x128xf32> to vector<256x20x128xf32>
    %slice3A = vector.extract_strided_slice %reshape3A {offsets = [0, 0, 0], sizes = [256, 20, 32], strides = [1, 1, 1]} : vector<256x20x128xf32> to vector<256x20x32xf32>
    %slice3A_12 = vector.extract_strided_slice %reshape3A {offsets = [0, 0, 32], sizes = [256, 20, 48], strides = [1, 1, 1]} : vector<256x20x128xf32> to vector<256x20x48xf32>
    %slice3A_13 = vector.extract_strided_slice %reshape3A {offsets = [0, 0, 80], sizes = [256, 20, 3], strides = [1, 1, 1]} : vector<256x20x128xf32> to vector<256x20x3xf32>
    %slice3A_14 = vector.extract_strided_slice %reshape3A {offsets = [0, 0, 83], sizes = [256, 20, 3], strides = [1, 1, 1]} : vector<256x20x128xf32> to vector<256x20x3xf32>
    %slice3A_15 = vector.extract_strided_slice %reshape3A {offsets = [0, 0, 86], sizes = [256, 20, 3], strides = [1, 1, 1]} : vector<256x20x128xf32> to vector<256x20x3xf32>
    %slice3A_16 = vector.extract_strided_slice %get3A_3 {offsets = [0, 0], sizes = [256, 3], strides = [1, 1]} : vector<256x54xf32> to vector<256x3xf32>
    %broadcast_in_dim3A = vector.shape_cast %slice3A_16 : vector<256x3xf32> to vector<256x1x3xf32>
    %sub3A = vector.broadcast %broadcast_in_dim3A : vector<256x1x3xf32> to vector<256x20x3xf32>
    %sub3A_17 = arith.subf %slice3A_14, %sub3A : vector<256x20x3xf32>
    %mul3A = arith.mulf %sub3A_17, %sub3A_17 : vector<256x20x3xf32>
    %reduce_sum3A = arith.constant dense<0.000000e+00> : vector<256x20xf32>
    %reduce_sum3A_18 = vector.multi_reduction <add>, %mul3A, %reduce_sum3A [2] : vector<256x20x3xf32> to vector<256x20xf32>
    %get3A_19 = arith.constant 0 : index
    %get3A_20 = arith.constant 0 : index
    %get3A_21 = vector.load %arg7[%get3A_19, %get3A_20] : memref<1x1xf32, #tpu.memory_space<vmem>>, vector<1x1xf32>
    %get3A_22 = vector.extract %get3A_21[0, 0] : f32 from vector<1x1xf32>
    %broadcast_in_dim3A_23 = vector.shape_cast %get3A_8 : vector<256x32xf32> to vector<256x1x32xf32>
    %mul3A_24 = vector.broadcast %broadcast_in_dim3A_23 : vector<256x1x32xf32> to vector<256x20x32xf32>
    %mul3A_25 = arith.mulf %mul3A_24, %slice3A : vector<256x20x32xf32>
    %reduce_sum3A_26 = arith.constant dense<0.000000e+00> : vector<256x20xf32>
    %reduce_sum3A_27 = vector.multi_reduction <add>, %mul3A_25, %reduce_sum3A_26 [2] : vector<256x20x32xf32> to vector<256x20xf32>
    %sqrt3A = arith.constant 3.200000e+01 : f32
    %sqrt3A_28 = math.sqrt %sqrt3A : f32
    %div3A = vector.broadcast %sqrt3A_28 : f32 to vector<256x20xf32>
    %div3A_29 = arith.divf %reduce_sum3A_27, %div3A : vector<256x20xf32>
    %mul3A_30 = vector.broadcast %get3A_22 : f32 to vector<256x20xf32>
    %mul3A_31 = arith.mulf %mul3A_30, %reduce_sum3A_18 : vector<256x20xf32>
    %sub3A_32 = arith.subf %div3A_29, %mul3A_31 : vector<256x20xf32>
    %reduce_max3A = arith.constant dense<0xFF800000> : vector<256xf32>
    %reduce_max3A_33 = vector.multi_reduction <maximumf>, %sub3A_32, %reduce_max3A [1] : vector<256x20xf32> to vector<256xf32>
    %max3A = arith.constant 0xFF800000 : f32
    %max3A_34 = vector.broadcast %max3A : f32 to vector<256xf32>
    %max3A_35 = arith.maximumf %max3A_34, %reduce_max3A_33 : vector<256xf32>
    %broadcast_in_dim3A_36 = vector.shape_cast %max3A_35 : vector<256xf32> to vector<256x1xf32>
    %sub3A_37 = vector.broadcast %broadcast_in_dim3A_36 : vector<256x1xf32> to vector<256x20xf32>
    %sub3A_38 = arith.subf %sub3A_32, %sub3A_37 : vector<256x20xf32>
    %exp3A = math.exp %sub3A_38 : vector<256x20xf32>
    %reduce_sum3A_39 = arith.constant dense<0.000000e+00> : vector<256xf32>
    %reduce_sum3A_40 = vector.multi_reduction <add>, %exp3A, %reduce_sum3A_39 [1] : vector<256x20xf32> to vector<256xf32>
    %broadcast_in_dim3A_41 = vector.shape_cast %reduce_sum3A_40 : vector<256xf32> to vector<256x1xf32>
    %div3A_42 = vector.broadcast %broadcast_in_dim3A_41 : vector<256x1xf32> to vector<256x20xf32>
    %div3A_43 = arith.divf %exp3A, %div3A_42 : vector<256x20xf32>
    %broadcast_in_dim3A_44 = vector.shape_cast %div3A_43 : vector<256x20xf32> to vector<256x20x1xf32>
    %mul3A_45 = vector.broadcast %broadcast_in_dim3A_44 : vector<256x20x1xf32> to vector<256x20x48xf32>
    %mul3A_46 = arith.mulf %mul3A_45, %slice3A_12 : vector<256x20x48xf32>
    %reduce_sum3A_47 = arith.constant dense<0.000000e+00> : vector<256x48xf32>
    %reduce_sum3A_48 = vector.multi_reduction <add>, %mul3A_46, %reduce_sum3A_47 [1] : vector<256x20x48xf32> to vector<256x48xf32>
    %get3A_49 = arith.constant 0 : index
    %get3A_50 = arith.constant 0 : index
    %get3A_51 = vector.load %arg5[%get3A_49, %get3A_50] : memref<48x48xf32, #tpu.memory_space<vmem>>, vector<48x48xf32>
    %dot_general3A = arith.constant dense<0.000000e+00> : vector<256x48xf32>
    %dot_general3A_52 = tpu.matmul %reduce_sum3A_48, %get3A_51, %dot_general3A {dimension_numbers = #tpu.dot_dimension_numbers<[1], [0], [0], [1], [0, 0, 1, 1], [], []>, transpose_lhs_hint = false} : vector<256x48xf32>, vector<48x48xf32>, vector<256x48xf32> -> vector<256x48xf32>
    %get3A_53 = arith.constant 0 : index
    %get3A_54 = arith.constant 0 : index
    %get3A_55 = vector.load %arg6[%get3A_53, %get3A_54] : memref<1x48xf32, #tpu.memory_space<vmem>>, vector<1x48xf32>
    %add3A = vector.broadcast %get3A_55 : vector<1x48xf32> to vector<256x48xf32>
    %add3A_56 = arith.addf %dot_general3A_52, %add3A : vector<256x48xf32>
    %broadcast_in_dim3A_57 = vector.shape_cast %div3A_43 : vector<256x20xf32> to vector<256x20x1xf32>
    %slice3A_58 = vector.extract_strided_slice %slice3A_13 {offsets = [0, 0, 0], sizes = [256, 20, 1], strides = [1, 1, 1]} : vector<256x20x3xf32> to vector<256x20x1xf32>
    %mul3A_59 = arith.mulf %broadcast_in_dim3A_57, %slice3A_58 : vector<256x20x1xf32>
    %mul3A_60 = vector.broadcast %mul3A_59 : vector<256x20x1xf32> to vector<256x20x3xf32>
    %mul3A_61 = arith.mulf %mul3A_60, %sub3A_17 : vector<256x20x3xf32>
    %reduce_sum3A_62 = arith.constant dense<0.000000e+00> : vector<256x3xf32>
    %reduce_sum3A_63 = vector.multi_reduction <add>, %mul3A_61, %reduce_sum3A_62 [1] : vector<256x20x3xf32> to vector<256x3xf32>
    %slice3A_64 = vector.extract_strided_slice %slice3A_13 {offsets = [0, 0, 1], sizes = [256, 20, 1], strides = [1, 1, 1]} : vector<256x20x3xf32> to vector<256x20x1xf32>
    %mul3A_65 = vector.broadcast %slice3A_64 : vector<256x20x1xf32> to vector<256x20x3xf32>
    %mul3A_66 = arith.mulf %mul3A_65, %sub3A_17 : vector<256x20x3xf32>
    %slice3A_67 = vector.extract_strided_slice %slice3A_13 {offsets = [0, 0, 2], sizes = [256, 20, 1], strides = [1, 1, 1]} : vector<256x20x3xf32> to vector<256x20x1xf32>
    %mul3A_68 = vector.broadcast %slice3A_67 : vector<256x20x1xf32> to vector<256x20x3xf32>
    %mul3A_69 = arith.mulf %mul3A_68, %slice3A_15 : vector<256x20x3xf32>
    %add3A_70 = arith.addf %mul3A_66, %mul3A_69 : vector<256x20x3xf32>
    %mul3A_71 = vector.broadcast %broadcast_in_dim3A_57 : vector<256x20x1xf32> to vector<256x20x3xf32>
    %mul3A_72 = arith.mulf %mul3A_71, %add3A_70 : vector<256x20x3xf32>
    %reduce_sum3A_73 = arith.constant dense<0.000000e+00> : vector<256x3xf32>
    %reduce_sum3A_74 = vector.multi_reduction <add>, %mul3A_72, %reduce_sum3A_73 [1] : vector<256x20x3xf32> to vector<256x3xf32>
    %concatenate3A = tpu.concatenate %reduce_sum3A_63, %reduce_sum3A_74, %add3A_56 in 1 : vector<256x3xf32>, vector<256x3xf32>, vector<256x48xf32> -> vector<256x54xf32>
    %add3A_75 = arith.addf %get3A_3, %concatenate3A : vector<256x54xf32>
    %swap3A = arith.constant 0 : index
    %swap3A_76 = arith.constant 0 : index
    %swap3A_77 = arith.constant 0 : index
    %swap3A_78 = vector.load %arg8[%swap3A, %swap3A_76, %swap3A_77] : memref<1x256x54xf32, #tpu.memory_space<vmem>>, vector<1x256x54xf32>
    %swap3A_79 = vector.shape_cast %swap3A_78 : vector<1x256x54xf32> to vector<256x54xf32>
    %swap3A_80 = vector.shape_cast %add3A_75 : vector<256x54xf32> to vector<1x256x54xf32>
    tpu.vector_store %arg8[%swap3A, %swap3A_76, %swap3A_77], %swap3A_80 {strides = array<i32>} : memref<1x256x54xf32, #tpu.memory_space<vmem>>, vector<1x256x54xf32>,
    return
  }
  func.func @transform_0(%arg0: i32, %arg1: i32) -> (i32, i32, i32) {
    %c0_i32 = arith.constant 0 : i32
    %c0_i32_0 = arith.constant 0 : i32
    return %arg0, %arg1, %c0_i32 : i32, i32, i32
  }
  func.func @transform_1(%arg0: i32, %arg1: i32) -> (i32, i32, i32) {
    %c0_i32 = arith.constant 0 : i32
    %c0_i32_0 = arith.constant 0 : i32
    return %arg0, %arg1, %c0_i32 : i32, i32, i32
  }
  func.func @transform_2(%arg0: i32, %arg1: i32) -> (i32, i32) {
    %mul3A = arith.constant 16 : i32
    %mul3A_0 = arith.muli %arg0, %mul3A : i32
    %add3A = arith.addi %mul3A_0, %arg1 : i32
    %c0_i32 = arith.constant 0 : i32
    %c0_i32_1 = arith.constant 0 : i32
    return %add3A, %c0_i32 : i32, i32
  }
  func.func @transform_3(%arg0: i32, %arg1: i32) -> (i32, i32) {
    %c0_i32 = arith.constant 0 : i32
    %c0_i32_0 = arith.constant 0 : i32
    %c0_i32_1 = arith.constant 0 : i32
    return %c0_i32, %c0_i32_0 : i32, i32
  }
  func.func @transform_4(%arg0: i32, %arg1: i32) -> (i32, i32) {
    %c0_i32 = arith.constant 0 : i32
    %c0_i32_0 = arith.constant 0 : i32
    %c0_i32_1 = arith.constant 0 : i32
    return %c0_i32, %c0_i32_0 : i32, i32
  }
  func.func @transform_5(%arg0: i32, %arg1: i32) -> (i32, i32) {
    %c0_i32 = arith.constant 0 : i32
    %c0_i32_0 = arith.constant 0 : i32
    %c0_i32_1 = arith.constant 0 : i32
    return %c0_i32, %c0_i32_0 : i32, i32
  }
  func.func @transform_6(%arg0: i32, %arg1: i32) -> (i32, i32, i32) {
    %c0_i32 = arith.constant 0 : i32
    %c0_i32_0 = arith.constant 0 : i32
    return %arg0, %arg1, %c0_i32 : i32, i32, i32
  }
}

</mosaic_0001>

<sc_bundles>
// kernel: kernel.7.cloned.1.call-start
scs
__scs_entry_jumppad:
0x0: {  	(pc) =	sbr.rel $0x88, $3  }
0x1: {  	(tag) =	ssettag $0x0;
	lr =	simm.s32 $0x1  }
0x2: {  	[smem:$0x3F90] =	sst lr;
	_ =	strace $0xD0000000  }
0x3: {  	_ = 	snop  }
0x4: {  	_ = 	snop  }
0x5: {  	_ = 	snop  }
0x6: {  	_ = 	snop  }
0x7: {  	_ = 	snop  }
__scs_overlays_trampoline_lowered:
0x8: {  	[smem:$0x3F9F] =	sst s0  }
0x9: {  	[smem:$0x3FA0] =	sst s1  }
0xa: {  	[smem:$0x3FA1] =	sst s2  }
0xb: {  	[smem:$0x3FA2] =	sst s3  }
0xc: {  	[smem:$0x3FA3] =	sst s4  }
0xd: {  	[smem:$0x3FA4] =	sst s5  }
0xe: {  	[smem:$0x3FA5] =	sst s6  }
0xf: {  	[smem:$0x3FA6] =	sst s7  }
0x10: {  	[smem:$0x3FA7] =	sst s8  }
0x11: {  	[smem:$0x3FA8] =	sst s9;
	s0 =	simm.s32 @!p0 $0x0  }
0x12: {  	s1 =	sld [smem:$0x3F8E];
	s0 =	simm.s32 @p0 $0x1  }
0x13: {  	[smem:$0x3FA9] =	sst s0;
	s0 =	simm.s32 @!p1 $0x0  }
0x14: {  	s2 =	sld [smem:$0x3F8D];
	s0 =	simm.s32 @p1 $0x1  }
0x15: {  	[smem:$0x3FAA] =	sst s0;
	s0 =	simm.s32 @!p2 $0x0  }
0x16: {  	s3 =	sld [smem:$0x3FDB];
	s0 =	simm.s32 @p2 $0x1  }
0x17: {  	s4 =	simm.s32 $0x1BF5;
	[smem:$0x3FAC] =	sst s0  }
0x18: {  	s0 =	sld [smem:$0x3F8F];
	_ =	swait.ge [sflag:s4], $0x0  }
0x19: {  	s7 =	sld [smem:$0x3F90]  }
0x1a: {  	s8 =	sadd.s32 $0xFFFFE003, lr  }
0x1b: {  	s9 =	sadd.s32 $0xFFFFFEF7, lr;
	s5 =	simm.s32 $0xFFFFFFFF;
	p2 =	slt.u32 s8, $0xFFFFF086  }
0x1c: {  	p1 =	slt.u32 s9, $0xF7A;
	s5 =	simm.s32 @!p2 $0x0  }
0x1d: {  	s5 =	simm.s32 @p1 $0x1;
	p0 =	seq.s32 s7, s2  }
0x1e: {  	s7 =	smul.u32 @!p0 $0xF7A, s2;
	p2 =	seq.s32 @!p0 s5, $0x0  }
0x1f: {  	s9 =	smul.u32 $0xF7A, s1;
	s8 =	simm.s32 @!p0 $0x1BF5;
	p2 =	por !p2, p0  }
0x20: {  	[sflag:s8] =	ssyncset.s32 @!p0 $0xFFFFF086;
	s6 =	sadd.s32 @!p0 s3, s7;
	s7 =	simm.s32 @!p0 $0x108  }
0x21: {  	s3 =	sadd.s32 s3, s9;
	s6 =	sadd.s32 @!p0 $0x88, s6;
	s7 =	simm.s32 @p2 $0x1082  }
0x22: {  	[simem:s7], [sflag:s8] =	dma.local @!p0 [hbm:s6], $0xF7A  }
0x23: {  	s9 =	sor.u32 $0xD0000000, s2;
	s6 =	simm.s32 $0x108;
	_ =	swait.ge @!p0 [sflag:s8], $0x0  }
0x24: {  	s3 =	sadd.s32 $0x88, s3;
	s6 =	simm.s32 @!p1 $0x1082;
	[sflag:s4] =	ssyncset.s32 $0xFFFFF086  }
0x25: {  	[simem:s6], [sflag:s4] =	dma.local [hbm:s3], $0xF7A  }
0x26: {  	[smem:$0x3F90] =	sst s1;
	(tag) =	ssettag s2;
	_ =	strace s9  }
0x27: {  	s1 =	sld [smem:$0x3FA0]  }
0x28: {  	s2 =	sld [smem:$0x3FA1]  }
0x29: {  	s4 =	sld [smem:$0x3FA3]  }
0x2a: {  	p0 =	seq.s32 s5, $0x0;
	s5 =	sld [smem:$0x3FA4]  }
0x2b: {  	s6 =	sld [smem:$0x3FA5]  }
0x2c: {  	s7 =	sld [smem:$0x3FA6]  }
0x2d: {  	s3 =	simm.s32 $0x108;
	s8 =	sld [smem:$0x3FA7]  }
0x2e: {  	s3 =	simm.s32 @!p0 $0x1082;
	s9 =	sld [smem:$0x3FA8]  }
0x2f: {  	lr =	sadd.s32 s0, s3;
	s0 =	sld [smem:$0x3F9F]  }
0x30: {  	s3 =	sld [smem:$0x3FA2]  }
0x31: {  	[smem:$0x3FAB] =	sst s10  }
0x32: {  	s10 =	sld [smem:$0x3FA9];
	_ =	sdelay $0x3  }
0x33: {  	p0 =	seq.s32 s10, $0x1;
	s10 =	sld [smem:$0x3FAB];
	_ =	sdelay $0x3  }
0x34: {  	[smem:$0x3FAB] =	sst s10  }
0x35: {  	s10 =	sld [smem:$0x3FAA];
	_ =	sdelay $0x3  }
0x36: {  	p1 =	seq.s32 s10, $0x1;
	s10 =	sld [smem:$0x3FAB];
	_ =	sdelay $0x3  }
0x37: {  	[smem:$0x3FAB] =	sst s10  }
0x38: {  	s10 =	sld [smem:$0x3FAC]  }
0x39: {  	_ = 	snop;
	(pc) =	sbr.ind lr, $3  }
0x3a: {  	_ = 	snop  }
0x3b: {  	_ = 	snop  }
0x3c: {  	p2 =	seq.s32 s10, $0x1;
	s10 =	sld [smem:$0x3FAB]  }
0x3d: {  	_ =	shalt  }
0x3e: {  	_ =	shalt  }
0x3f: {  	_ =	shalt  }
0x40: {  	_ =	shalt  }
0x41: {  	_ =	shalt  }
0x42: {  	_ =	shalt  }
0x43: {  	_ =	shalt  }
0x44: {  	_ =	shalt  }
0x45: {  	_ =	shalt  }
0x46: {  	_ =	shalt  }
0x47: {  	_ =	shalt  }
0x48: {  	_ =	shalt  }
0x49: {  	_ =	shalt  }
0x4a: {  	_ =	shalt  }
0x4b: {  	_ =	shalt  }
0x4c: {  	_ =	shalt  }
0x4d: {  	_ =	shalt  }
0x4e: {  	_ =	shalt  }
0x4f: {  	_ =	shalt  }
0x50: {  	_ =	shalt  }
0x51: {  	_ =	shalt  }
0x52: {  	_ =	shalt  }
0x53: {  	_ =	shalt  }
0x54: {  	_ =	shalt  }
0x55: {  	_ =	shalt  }
0x56: {  	_ =	shalt  }
0x57: {  	_ =	shalt  }
0x58: {  	_ =	shalt  }
0x59: {  	_ =	shalt  }
0x5a: {  	_ =	shalt  }
0x5b: {  	_ =	shalt  }
0x5c: {  	_ =	shalt  }
0x5d: {  	_ =	shalt  }
0x5e: {  	_ =	shalt  }
0x5f: {  	_ =	shalt  }
0x60: {  	_ =	shalt  }
0x61: {  	_ =	shalt  }
0x62: {  	_ =	shalt  }
0x63: {  	_ =	shalt  }
0x64: {  	_ =	shalt  }
0x65: {  	_ =	shalt  }
0x66: {  	_ =	shalt  }
0x67: {  	_ =	shalt  }
0x68: {  	_ =	shalt  }
0x69: {  	_ =	shalt  }
0x6a: {  	_ =	shalt  }
0x6b: {  	_ =	shalt  }
0x6c: {  	_ =	shalt  }
0x6d: {  	_ =	shalt  }
0x6e: {  	_ =	shalt  }
0x6f: {  	_ =	shalt  }
0x70: {  	_ =	shalt  }
0x71: {  	_ =	shalt  }
0x72: {  	_ =	shalt  }
0x73: {  	_ =	shalt  }
0x74: {  	_ =	shalt  }
0x75: {  	_ =	shalt  }
0x76: {  	_ =	shalt  }
0x77: {  	_ =	shalt  }
0x78: {  	_ =	shalt  }
0x79: {  	_ =	shalt  }
0x7a: {  	_ =	shalt  }
0x7b: {  	_ =	shalt  }
0x7c: {  	_ =	shalt  }
0x7d: {  	_ =	shalt  }
0x7e: {  	_ =	shalt  }
0x7f: {  	_ =	shalt  }
0x80: {  	_ =	shalt  }
0x81: {  	_ =	shalt  }
0x82: {  	_ =	shalt  }
0x83: {  	_ =	shalt  }
0x84: {  	_ =	shalt  }
0x85: {  	_ =	shalt  }
0x86: {  	_ =	shalt  }
0x87: {  	_ =	shalt  }
.Lfunc_end0:
.L_simem_size_0:
called_computation_lowered:
.L_overlay_start_0:
0x88: {  	s2 =	sld [smem:$0x3FD9]  }
0x89: {  	s3 =	sld [smem:$0x3FFE];
	_ =	sdelay $0x1  }
0x8a: {  	s1 =	srdreg.scid  }
0x8b: {  	s0 =	sand.u32 $0x1, s1  }
0x8c: {  	s17 =	sshll.u32 s0, $0xA;
	s2 =	sadd.s32 s3, s2  }
0x8d: {  	s2 =	sadd.s32 s2, s17  }
0x8e: {  	[smem:$0x3FB7] =	sst s2  }
0x8f: {  	_ = 	snop  }
0x90: {  	s2 =	sld [smem:$0x3FD0];
	(tm) =	ssettm $0x1  }
0x91: {  	s18 =	sld [smem:$0x3FFB];
	_ =	sdelay $0x3  }
0x92: {  	_ =	strace s18  }
0x93: {  	s3 =	sld [smem:$0x3FFC];
	_ =	sdelay $0x3  }
0x94: {  	_ =	strace s3  }
0x95: {  	s3 =	sld [smem:$0x3FFD];
	_ =	sdelay $0x3  }
0x96: {  	_ =	strace s3  }
0x97: {  	_ =	strace $0x8FFFFFFF  }
0x98: {  	s19 =	sld [smem:$0x3FDB];
	_ =	sdelay $0x1  }
0x99: {  	s4 =	simm.s32 $_scs_section_size  }
0x9a: {  	s5 =	simm.s32 $_size__tile_overlayer_lowered;
	s6 =	simm.s32 $_tile_overlayer_lowered  }
0x9b: {  	s22 =	simm.s32 $0x1BFF;
	s21 =	sshll.u32 s6, $0x1;
	s3 =	sadd.s32 s4, s19  }
0x9c: {  	s7 =	simm.s32 $0x0;
	s20 =	sshll.u32 s5, $0x1;
	s5 =	sadd.s32 s21, s3  }
0x9d: {  	[timem:s7], [sflag:s22] =	dma.local [hbm:s5], s20  }
0x9e: {  	_ =	swait.ge [sflag:s22], s20  }
0x9f: {  	s4 =	ssub.s32 $0x0, s20;
	[sflag:s22] =	ssyncset.done $0x0  }
0xa0: {  	[sflag:s22] =	ssyncadd.s32 s4;
	_ =	sdelay $0x1  }
0xa1: {  	s23 =	simm.s32 $0x1B8B  }
0xa2: {  	_ =	swait.ge [sflag:s23], $0x1  }
0xa3: {  	[sflag:s23] =	ssyncset.done $0x0  }
0xa4: {  	s25 =	simm.s32 $0x1B8E;
	s24 =	sld [smem:$0x3FFE];
	[sflag:s23] =	ssyncadd.s32 $0xFFFFFFFF  }
0xa5: {  	s26 =	simm.s32 $execute0_lowered;
	[smem:$0x3FD2] =	sst s25  }
0xa6: {  	s5 =	sshll.u32 s26, $0x1;
	_ =	strace $0x80000046;
	[dreg:$0x1] =	wrdreg $0xFFFFFFFF  }
0xa7: {  	s28 =	simm.s32 $_size_execute0_lowered;
	s3 =	sadd.s32 s3, s5;
	[dreg:$0x0] =	wrdreg $0x0  }
0xa8: {  	s5 =	sshll.u32 s28, $0x1;
	[dreg:$0x2] =	wrdreg s3  }
0xa9: {  	[dreg:$0x3] =	wrdreg s5  }
0xaa: {  	[dreg:$0x4] =	wrdreg $0xC0  }
0xab: {  	_ =	task [dreg:s7], $0x5FFFF  }
0xac: {  	[dreg:$0x1] =	wrdreg $0xFFFFFFFF  }
0xad: {  	[dreg:$0x0] =	wrdreg $0x60  }
0xae: {  	[dreg:$0x2] =	wrdreg s24  }
0xaf: {  	[dreg:$0x3] =	wrdreg s2  }
0xb0: {  	[dreg:$0x4] =	wrdreg $0x9  }
0xb1: {  	_ =	task.clear_ibuf [dreg:s7], $0x5FFFF;
	_ =	strace $0x90000046  }
0xb2: {  	s29 =	simm.s32 $0x9;
	_ =	strace $0x80000048  }
0xb3: {  	_ =	swait.ge [sflag:s29], $0x1  }
0xb4: {  	[sflag:s29] =	ssyncadd.s32 $0xFFFFFFFF  }
0xb5: {  	_ =	strace $0x90000048  }
0xb6: {  	_ =	sfence  }
0xb7: {  	s30 =	sld [smem:$0x0];
	_ =	sdelay $0x2  }
0xb8: {  	s31 =	sshll.u32 s1, $0xD;
	s1 =	sshrl.u32 s1, $0x2  }
0xb9: {  	s3 =	sand.u32 $0x4000, s31;
	s1 =	sadd.s32 s1, s30  }
0xba: {  	s0 =	sor.u32 s3, s0;
	s1 =	sshll.u32 s1, $0x11  }
0xbb: {  	s0 =	sor.u32 s1, s0  }
0xbc: {  	s0 =	sadd.s32 $0x8F2B, s0  }
0xbd: {  	[sflag:s0] =	ssyncadd.remote.s32 $0x1  }
0xbe: {  	_ =	sfence.sel $0xFFFF  }
0xbf: {  	[dreg:$0x0] =	wrdreg $0xFFFFFFFF;
	(pc) =	sbr.abs _section_cstart, $3  }
0xc0: {  	[dreg:$0x1] =	wrdreg $0xFFFFFFFF  }
0xc1: {  	_ =	task.clear_ibuf [dreg:s7], $0x2FFFF;
	_ =	strace $0x9FFFFFFF  }
0xc2: {  	(tm) =	ssettm $0x7FFFFFFF  }
0xc3: {  	_ =	shalt  }
tec
execute0_lowered:
.L_overlay_start_1:
0x0: {  	(tag) =	ssettag $0x1  }
0x1: {  	s4 =	rddreg [dreg:$0x0];
	s1 =	srdreg.scid  }
0x2: {  	s0 =	stileid.u32;
	s5 =	rddreg [dreg:$0x1]  }
0x3: {  	s2 =	simm.s32 $0x0;
	s12 =	simm.s32 $0x1400;
	s13 =	simm.s32 $0x5400  }
0x4: {  	s14 =	simm.s32 $0x1;
	s15 =	simm.s32 $0x9400;
	s16 =	simm.s32 $0xD400  }
0x5: {  	s17 =	simm.s32 $0x2;
	s18 =	simm.s32 $0x1300;
	s19 =	simm.s32 $0x1380  }
0x6: {  	s20 =	simm.s32 $0x0;
	s6 =	sand.u32 $0x1, s1;
	s1 =	rddreg [dreg:$0x2]  }
0x7: {  	s3 =	sshll.u32 s0, $0x1;
	[smem:$0x7FF] =	sst s2;
	s10 =	smul.u32 $0x140000, s0  }
0x8: {  	s3 =	sor.u32 s6, s3;
	s9 =	ssub.s32 $0x2, s6;
	s6 =	smul.u32 $0xA0000, s6  }
0x9: {  	s11 =	sadd.s32 $0x22A00, s4;
	_ =	strace $0x80000047;
	s7 =	smul.u32 $0x280, s3  }
0xa: {  	s8 =	smul.u32 $0xA0000, s3;
	s3 =	sadd.s32 $0x2A00, s4;
	s26 =	sshrl.u32 s9, $0x1  }
0xb: {  	s9 =	ssub.s32 s9, s26;
	s29 =	sadd.s32 s6, s10;
	s4 =	sadd.s32 s5, s7  }
0xc: {  	s28 =	sshrl.u32 s8, $0x3;
	s5 =	smax.u32 s9, $0x1;
	s30 =	sshrl.u32 s29, $0x3  }
0xd: {  	s10 =	sor.u32 $0x8000, s29;
	s7 =	sadd.s32 s11, s28;
	s8 =	sadd.s32 s30, s11  }
0xe: {  	s31 =	sshrl.u32 s10, $0x3;
	s10 =	simm.s32 $0x3;
	s6 =	sadd.s32 $0x12000, s7  }
0xf: {  	s7 =	sadd.s32 $0x13000, s7;
	s9 =	sadd.s32 s31, s11;
	s11 =	simm.s32 $0x80  }
.LBB2_1:
0x10: {  	[tilespmem:s2], [sflag:$0x3] =	stream.linear.gather [hbm4b:s4+s2], $0x1400, $0x38;
	[tilespmem:$0x11400] =	vst v63  }
0x11: {  	_ =	swait.ge [sflag:s10], $0x1400  }
0x12: {  	[sflag:s10] =	ssyncset.done $0x0  }
0x13: {  	[sflag:s10] =	ssyncadd.s32 $0xFFFFEC00  }
0x14: {  	[tilespmem:s12], [sflag:$0x1] =	stream.indirect.gather [hbm4b:s3+s11], $0x80, s2, s11, $0xb8;
	[tilespmem:$0x11400] =	vst v63  }
0x15: {  	_ = 	snop  }
0x16: {  	[tilespmem:s13], [sflag:$0x1] =	stream.indirect.gather [hbm4b:s3+s11], $0x80, s11, s11, $0xb8;
	[tilespmem:$0x11400] =	vst v63  }
0x17: {  	_ =	swait.ge [sflag:s14], $0x4000  }
0x18: {  	[sflag:s14] =	ssyncset.done $0x0  }
0x19: {  	[sflag:s14] =	ssyncadd.s32 $0xFFFFC000  }
0x1a: {  	_ =	swait.ge [sflag:s14], $0x4000  }
0x1b: {  	[sflag:s14] =	ssyncset.done $0x0  }
0x1c: {  	s21 =	simm.s32 $0x100;
	[sflag:s14] =	ssyncadd.s32 $0xFFFFC000  }
0x1d: {  	[tilespmem:s15], [sflag:$0x2] =	stream.indirect.gather [hbm4b:s3+s11], $0x80, s21, s11, $0xb8;
	[tilespmem:$0x11400] =	vst v63  }
0x1e: {  	s29 =	simm.s32 $0x180  }
0x1f: {  	[tilespmem:s16], [sflag:$0x2] =	stream.indirect.gather [hbm4b:s3+s11], $0x80, s29, s11, $0xb8;
	[tilespmem:$0x11400] =	vst v63  }
0x20: {  	_ = 	snop  }
0x21: {  	[hbm4b:s8+s2] =	stream.linear.scatter [tilespmem:s12], [sflag:$0x3], $0x8000, $0x38;
	[tilespmem:$0x11400] =	vst v63  }
0x22: {  	_ =	swait.ge [sflag:s10], $0x8000  }
0x23: {  	[sflag:s10] =	ssyncset.done $0x0  }
0x24: {  	[sflag:s10] =	ssyncadd.s32 $0xFFFF8000  }
0x25: {  	_ =	swait.ge [sflag:s17], $0x4000  }
0x26: {  	[sflag:s17] =	ssyncset.done $0x0  }
0x27: {  	[sflag:s17] =	ssyncadd.s32 $0xFFFFC000  }
0x28: {  	_ =	swait.ge [sflag:s17], $0x4000  }
0x29: {  	[sflag:s17] =	ssyncset.done $0x0  }
0x2a: {  	s30 =	simm.s32 $0x200;
	[sflag:s17] =	ssyncadd.s32 $0xFFFFC000  }
0x2b: {  	[tilespmem:s12], [sflag:$0x1] =	stream.indirect.gather [hbm4b:s3+s11], $0x80, s30, s11, $0xb8;
	[tilespmem:$0x11400] =	vst v63  }
0x2c: {  	s31 =	simm.s32 $0x280  }
0x2d: {  	[tilespmem:s13], [sflag:$0x1] =	stream.indirect.gather [hbm4b:s3+s11], $0x80, s31, s11, $0xb8;
	[tilespmem:$0x11400] =	vst v63  }
0x2e: {  	_ = 	snop  }
0x2f: {  	[hbm4b:s9+s2] =	stream.linear.scatter [tilespmem:s15], [sflag:$0x3], $0x8000, $0x38;
	[tilespmem:$0x11400] =	vst v63  }
0x30: {  	s22 =	smov.u32 s8;
	_ =	swait.ge [sflag:s10], $0x8000  }
0x31: {  	s23 =	smov.u32 s9;
	s21 =	simm.s32 $0x800;
	[sflag:s10] =	ssyncset.done $0x0  }
.LBB2_2:
0x32: {  	[sflag:s10] =	ssyncadd.s32 $0xFFFF8000;
	s22 =	sadd.s32 $0x2000, s22;
	s23 =	sadd.s32 $0x2000, s23  }
0x33: {  	p0 =	sne.s32 s21, $0x4000;
	s24 =	smov.u32 s21;
	s21 =	sadd.s32 $0x800, s21  }
0x34: {  	_ =	swait.ge [sflag:s14], $0x4000  }
0x35: {  	[sflag:s14] =	ssyncset.done $0x0  }
0x36: {  	[sflag:s14] =	ssyncadd.s32 $0xFFFFC000  }
0x37: {  	_ =	swait.ge [sflag:s14], $0x4000  }
0x38: {  	s24 =	sshra.s32 s24, $0x2;
	[sflag:s14] =	ssyncset.done $0x0  }
0x39: {  	s25 =	sadd.s32 $0x100, s24;
	[sflag:s14] =	ssyncadd.s32 $0xFFFFC000  }
0x3a: {  	[tilespmem:s15], [sflag:$0x2] =	stream.indirect.gather [hbm4b:s3+s11], $0x80, s25, s11, $0xb8;
	[tilespmem:$0x11400] =	vst v63  }
0x3b: {  	s25 =	sadd.s32 $0x180, s24  }
0x3c: {  	[tilespmem:s16], [sflag:$0x2] =	stream.indirect.gather [hbm4b:s3+s11], $0x80, s25, s11, $0xb8;
	[tilespmem:$0x11400] =	vst v63  }
0x3d: {  	_ = 	snop  }
0x3e: {  	[hbm4b:s22+s2] =	stream.linear.scatter [tilespmem:s12], [sflag:$0x3], $0x8000, $0x38;
	[tilespmem:$0x11400] =	vst v63  }
0x3f: {  	_ =	swait.ge [sflag:s10], $0x8000  }
0x40: {  	[sflag:s10] =	ssyncset.done $0x0  }
0x41: {  	[sflag:s10] =	ssyncadd.s32 $0xFFFF8000  }
0x42: {  	_ =	swait.ge [sflag:s17], $0x4000  }
0x43: {  	[sflag:s17] =	ssyncset.done $0x0  }
0x44: {  	[sflag:s17] =	ssyncadd.s32 $0xFFFFC000  }
0x45: {  	_ =	swait.ge [sflag:s17], $0x4000  }
0x46: {  	[sflag:s17] =	ssyncset.done $0x0  }
0x47: {  	s25 =	sadd.s32 $0x200, s24;
	[sflag:s17] =	ssyncadd.s32 $0xFFFFC000  }
0x48: {  	[tilespmem:s12], [sflag:$0x1] =	stream.indirect.gather [hbm4b:s3+s11], $0x80, s25, s11, $0xb8;
	[tilespmem:$0x11400] =	vst v63  }
0x49: {  	s24 =	sadd.s32 $0x280, s24  }
0x4a: {  	[tilespmem:s13], [sflag:$0x1] =	stream.indirect.gather [hbm4b:s3+s11], $0x80, s24, s11, $0xb8;
	[tilespmem:$0x11400] =	vst v63  }
.Ltmp0:
0x4b: {  	_ = 	snop;
	(pc) =	sbr.rel @p0 .LBB2_2-.Ltmp0, $4  }
0x4c: {  	_ = 	snop  }
0x4d: {  	[hbm4b:s23+s2] =	stream.linear.scatter [tilespmem:s15], [sflag:$0x3], $0x8000, $0x38;
	[tilespmem:$0x11400] =	vst v63  }
0x4e: {  	_ =	swait.ge [sflag:s10], $0x8000  }
0x4f: {  	[sflag:s10] =	ssyncset.done $0x0  }
0x50: {  	[sflag:s10] =	ssyncadd.s32 $0xFFFF8000  }
0x51: {  	_ =	swait.ge [sflag:s14], $0x4000  }
0x52: {  	[sflag:s14] =	ssyncset.done $0x0  }
0x53: {  	[sflag:s14] =	ssyncadd.s32 $0xFFFFC000  }
0x54: {  	_ =	swait.ge [sflag:s14], $0x4000  }
0x55: {  	[sflag:s14] =	ssyncset.done $0x0  }
0x56: {  	[sflag:s14] =	ssyncadd.s32 $0xFFFFC000  }
0x57: {  	[tilespmem:s15], [sflag:$0x2] =	stream.indirect.gather [hbm4b:s3+s11], $0x80, s18, s11, $0xb8;
	[tilespmem:$0x11400] =	vst v63  }
0x58: {  	_ = 	snop  }
0x59: {  	[tilespmem:s16], [sflag:$0x2] =	stream.indirect.gather [hbm4b:s3+s11], $0x80, s19, s11, $0xb8;
	[tilespmem:$0x11400] =	vst v63  }
0x5a: {  	_ = 	snop  }
0x5b: {  	[hbm4b:s6+s2] =	stream.linear.scatter [tilespmem:s12], [sflag:$0x3], $0x8000, $0x38;
	[tilespmem:$0x11400] =	vst v63  }
0x5c: {  	_ =	swait.ge [sflag:s10], $0x8000  }
0x5d: {  	[sflag:s10] =	ssyncset.done $0x0  }
0x5e: {  	[sflag:s10] =	ssyncadd.s32 $0xFFFF8000  }
0x5f: {  	_ =	swait.ge [sflag:s17], $0x4000  }
0x60: {  	[sflag:s17] =	ssyncset.done $0x0  }
0x61: {  	[sflag:s17] =	ssyncadd.s32 $0xFFFFC000  }
0x62: {  	_ =	swait.ge [sflag:s17], $0x4000  }
0x63: {  	[sflag:s17] =	ssyncset.done $0x0  }
0x64: {  	[sflag:s17] =	ssyncadd.s32 $0xFFFFC000  }
0x65: {  	[tilespmem:s12], [sflag:$0x1] =	stream.indirect.gather [hbm4b:s3+s11], $0x80, s2, s11, $0xb8;
	[tilespmem:$0x11400] =	vst v63  }
0x66: {  	_ = 	snop  }
0x67: {  	[tilespmem:s13], [sflag:$0x1] =	stream.indirect.gather [hbm4b:s3+s11], $0x80, s11, s11, $0xb8;
	[tilespmem:$0x11400] =	vst v63  }
0x68: {  	_ = 	snop  }
0x69: {  	[hbm4b:s7+s2] =	stream.linear.scatter [tilespmem:s15], [sflag:$0x3], $0x8000, $0x38;
	[tilespmem:$0x11400] =	vst v63  }
0x6a: {  	_ =	swait.ge [sflag:s10], $0x8000  }
0x6b: {  	[sflag:s10] =	ssyncset.done $0x0  }
0x6c: {  	s20 =	sadd.s32 $0x1, s20;
	[sflag:s10] =	ssyncadd.s32 $0xFFFF8000  }
0x6d: {  	p0 =	sne.s32 s20, s5;
	_ =	swait.ge [sflag:s14], $0x4000  }
.Ltmp1:
0x6e: {  	[sflag:s14] =	ssyncset.done $0x0;
	(pc) =	sbr.rel @p0 .LBB2_1-.Ltmp1, $4  }
0x6f: {  	[sflag:s14] =	ssyncadd.s32 $0xFFFFC000  }
0x70: {  	_ =	swait.ge [sflag:s14], $0x4000  }
0x71: {  	[sflag:s14] =	ssyncset.done $0x0  }
0x72: {  	[sflag:s14] =	ssyncadd.s32 $0xFFFFC000  }
0x73: {  	_ =	sfence.sel $0x180000  }
0x74: {  	[bflag:$0x0] =	sbarrier.arrive $0xFFFF  }
0x75: {  	p0 =	sne.s32 s0, $0x0;
	_ =	strace $0x90000047  }
0x76: {  	s0 =	sadd.s32 @!p0 $0x100000, s1;
	[bflag:$0x2] =	sbarrier.arrive $0xFFFF  }
0x77: {  	[sflag:s0] =	ssyncadd.tile.s32 @!p0 $0x1;
	_ =	shalt  }
.Lfunc_end2:
_tile_overlayer_lowered:
.L_overlay_start_2:
0x78: {  	(tag) =	ssettag $0x2  }
0x79: {  	s0 =	rddreg [dreg:$0x0];
	s2 =	stileid.u32  }
0x7a: {  	s1 =	rddreg [dreg:$0x1];
	p0 =	sne.s32 s2, $0x0  }
0x7b: {  	s3 =	rddreg [dreg:$0x2];
	[bflag:$0x3] =	sbarrier.arrive $0xFFFF;
	s2 =	simm.s32 @!p0 $0x1C03  }
0x7c: {  	[timem:s3], [sflag:s2] =	dma.local @!p0 [hbm:s0], s1  }
0x7d: {  	s0 =	simm.s32 @!p0 $0x3  }
0x7e: {  	_ =	swait.ge @!p0 [sflag:s0], s1  }
0x7f: {  	s1 =	ssub.s32 @!p0 $0x0, s1;
	[sflag:s0] =	ssyncset.done @!p0 $0x0  }
0x80: {  	[sflag:s0] =	ssyncadd.s32 @!p0 s1  }
0x81: {  	[bflag:$0x3] =	sbarrier.arrive $0xFFFF  }
0x82: {  	_ =	shalt  }

</sc_bundles>
